<compile_context>
chip_gen: v7x
topology: tpu7x:2x2x1
jax: 0.10.2.dev20260603
libtpu: 0.0.44.dev20260713+nightly
codegen_flags: <defaults>
</compile_context>

<pallas_src>
import functools
import jax
import jax.numpy as jnp
from jax import lax
from jax.experimental import pallas as pl
from jax.experimental.pallas import tpu as pltpu, tpu_sc as plsc

B, S, D = 4, 8192, 1024
TOT = S * D
NC, NS, L = 2, 16, 16
NW = NC * NS
PER_W = TOT // NW
CH = 8192
N_CHUNKS = PER_W // CH
UNROLL = 8


def _sc_body(in_hbm, tab_hbm, out_hbm,
             tab0, tab1, in0, in1, in2, in3, o0, o1, o2, o3,
             st0, st1, si0, si1, si2, si3, so0, so1, so2, so3):
    tabs, stabs = [tab0, tab1], [st0, st1]
    ins, sins = [in0, in1, in2, in3], [si0, si1, si2, si3]
    outs, souts = [o0, o1, o2, o3], [so0, so1, so2, so3]

    wid = lax.axis_index("s") * NC + lax.axis_index("c")
    base = wid * PER_W

    def tab_copy(c, p):
        pltpu.async_copy(tab_hbm.at[pl.ds(base + c * CH, CH)], tabs[p], stabs[p])

    def tab_wait(c, p):
        pltpu.make_async_copy(
            tab_hbm.at[pl.ds(base + c * CH, CH)], tabs[p], stabs[p]).wait()

    def in_copy(c, b):
        pltpu.async_copy(in_hbm.at[b, pl.ds(base + c * CH, CH)], ins[b], sins[b])

    def in_wait(c, b):
        pltpu.make_async_copy(
            in_hbm.at[b, pl.ds(base + c * CH, CH)], ins[b], sins[b]).wait()

    def out_start(c, b):
        pltpu.async_copy(outs[b], out_hbm.at[b, pl.ds(base + c * CH, CH)], souts[b])

    def out_wait(c, b):
        pltpu.make_async_copy(
            outs[b], out_hbm.at[b, pl.ds(base + c * CH, CH)], souts[b]).wait()

    tab_copy(0, 0)
    for b in range(B):
        in_copy(0, b)

    def super_step(c2, _):
        for phase in (0, 1):
            c = 2 * c2 + phase
            if phase == 0:
                tab_copy(c + 1, 1)
            else:
                pl.when(c2 < N_CHUNKS // 2 - 1)(lambda: tab_copy(c + 1, 0))
            tab_wait(c, phase)
            for b in range(B):
                in_wait(c, b)
                if phase == 0:
                    pl.when(c2 > 0)(lambda: out_wait(c - 1, b))
                else:
                    out_wait(c - 1, b)

                in_b, tab_p, out_b = ins[b], tabs[phase], outs[b]

                if True:
                    del in_b, tab_p, out_b
                else:
                    @plsc.parallel_loop(0, CH, step=L, unroll=UNROLL)
                    def _(i):
                        ds = pl.ds(i, L)
                        x = in_b[ds]
                        out_b[ds] = jnp.where(x == 0.0, x, tab_p[ds])

                out_start(c, b)
                if phase == 0:
                    in_copy(c + 1, b)
                else:
                    pl.when(c2 < N_CHUNKS // 2 - 1)(lambda: in_copy(c + 1, b))
        return 0

    lax.fori_loop(0, N_CHUNKS // 2, super_step, 0)
    for b in range(B):
        out_wait(N_CHUNKS - 1, b)


def _kernel_sc(inputs, pos_table):
    x = inputs.reshape(B, TOT)
    t = pos_table.reshape(TOT)
    mesh = plsc.VectorSubcoreMesh(core_axis_name="c", subcore_axis_name="s")
    f = pl.kernel(
        _sc_body,
        mesh=mesh,
        out_type=jax.ShapeDtypeStruct((B, TOT), jnp.float32),
        scratch_types=(
            [pltpu.VMEM((CH,), jnp.float32) for _ in range(10)]
            + [pltpu.SemaphoreType.DMA for _ in range(10)]
        ),
    )
    return f(x, t).reshape(B, S, D)


def _tc_body(x_ref, t_ref, o_ref):
    x = x_ref[...]
    t = t_ref[...]
    o_ref[...] = jnp.where(x == 0.0, x, t[None, :, :])


def _kernel_tc(inputs, pos_table):
    b, s, d = inputs.shape
    s_blk = min(512, s)
    return pl.pallas_call(
        _tc_body,
        grid=(s // s_blk,),
        in_specs=[
            pl.BlockSpec((b, s_blk, d), lambda i: (0, i, 0)),
            pl.BlockSpec((s_blk, d), lambda i: (i, 0)),
        ],
        out_specs=pl.BlockSpec((b, s_blk, d), lambda i: (0, i, 0)),
        out_shape=jax.ShapeDtypeStruct((b, s, d), inputs.dtype),
    )(inputs, pos_table)


def kernel(inputs, pos_table):
    return _kernel_sc(inputs, pos_table)

# --- scband reference (transcript-rebuilt; emitter-appended) ---
"""Pipeline reference for scband-position-embedding-61778809586304 (READ-ONLY COPY).

The authoritative reference and input builder live on the scoring server;
editing this copy changes nothing except your own understanding.
"""

import jax, jax.numpy as jnp
import numpy as np

MAX_LEN = 8192
EMBED_DIM = 1024
BATCH = 4
SEQ = 8192

def get_pos_embedding_matrix(max_len, embedding_dim):
    position_enc = np.array([[pos / np.power(10000, (i - i % 2) / embedding_dim) for i in range(embedding_dim)] for pos in range(max_len)])
    position_enc[:, 0::2] = np.sin(position_enc[:, 0::2])
    position_enc[:, 1::2] = np.cos(position_enc[:, 1::2])
    return position_enc.astype(np.float32)


def setup_inputs(seed: int = 0) -> dict:
    key = jax.random.key(seed)
    inputs = jax.random.normal(key, (BATCH, SEQ, EMBED_DIM), dtype=jnp.float32)
    pos_table = jnp.asarray(get_pos_embedding_matrix(MAX_LEN, EMBED_DIM))
    return {"inputs": inputs, "pos_table": pos_table}


def reference(inputs, pos_table):
    B, S, D = inputs.shape
    # get_pos: tile position ids over batch
    pos_ind = jnp.tile(jnp.arange(S, dtype=jnp.int32)[None, :], (B, 1))
    # embedding lookup (gather from non-trainable sinusoidal table)
    pos_embedding = jnp.take(pos_table, pos_ind, axis=0)
    # mask_outputs: where inputs == 0, pass inputs through; else position embedding
    out = jnp.where(jnp.equal(inputs, 0.0), inputs, pos_embedding)
    return out

if __name__ == "__main__":
    import jax
    _d = setup_inputs()
    print(jax.jit(kernel)(*tuple(_d.values())))

</pallas_src>

<mosaic_0001>
#map = affine_map<(d0, d1) -> (0, 0)>
#map1 = affine_map<(d0, d1) -> (0)>
module attributes {stable_mosaic.version = 14 : i64} {
  func.func @_sc_body(%arg0: i32, %arg1: i32, %arg2: memref<4x8388608xf32, #tpu.memory_space<hbm>>, %arg3: memref<8388608xf32, #tpu.memory_space<hbm>>, %arg4: memref<4x8388608xf32, #tpu.memory_space<hbm>>, %arg5: memref<8192xf32, #tpu.memory_space<vmem>>, %arg6: memref<8192xf32, #tpu.memory_space<vmem>>, %arg7: memref<8192xf32, #tpu.memory_space<vmem>>, %arg8: memref<8192xf32, #tpu.memory_space<vmem>>, %arg9: memref<8192xf32, #tpu.memory_space<vmem>>, %arg10: memref<8192xf32, #tpu.memory_space<vmem>>, %arg11: memref<8192xf32, #tpu.memory_space<vmem>>, %arg12: memref<8192xf32, #tpu.memory_space<vmem>>, %arg13: memref<8192xf32, #tpu.memory_space<vmem>>, %arg14: memref<8192xf32, #tpu.memory_space<vmem>>, %arg15: memref<!tpu.dma_semaphore, #tpu.memory_space<semaphore_mem>>, %arg16: memref<!tpu.dma_semaphore, #tpu.memory_space<semaphore_mem>>, %arg17: memref<!tpu.dma_semaphore, #tpu.memory_space<semaphore_mem>>, %arg18: memref<!tpu.dma_semaphore, #tpu.memory_space<semaphore_mem>>, %arg19: memref<!tpu.dma_semaphore, #tpu.memory_space<semaphore_mem>>, %arg20: memref<!tpu.dma_semaphore, #tpu.memory_space<semaphore_mem>>, %arg21: memref<!tpu.dma_semaphore, #tpu.memory_space<semaphore_mem>>, %arg22: memref<!tpu.dma_semaphore, #tpu.memory_space<semaphore_mem>>, %arg23: memref<!tpu.dma_semaphore, #tpu.memory_space<semaphore_mem>>, %arg24: memref<!tpu.dma_semaphore, #tpu.memory_space<semaphore_mem>>) attributes {dimension_semantics = [#tpu.dimension_semantics<core_parallel>, #tpu.dimension_semantics<subcore_parallel>], iteration_bounds = array<i64: 2, 16>, scalar_prefetch = 0 : i64, scratch_operands = 20 : i64, tpu.core_type = #tpu.core_type<sc_vector_subcore>, window_params = [{transform_indices = #map}, {transform_indices = #map1}, {transform_indices = #map}]} {
    %mul3A = arith.constant 2 : i32
    %mul3A_0 = arith.muli %arg1, %mul3A : i32
    %add3A = arith.addi %mul3A_0, %arg0 : i32
    %mul3A_1 = arith.constant 262144 : i32
    %mul3A_2 = arith.muli %add3A, %mul3A_1 : i32
    %add3A_3 = arith.constant 0 : i32
    %add3A_4 = arith.addi %mul3A_2, %add3A_3 : i32
    %dma_start3A = tpu.memref_slice %arg3[%add3A_4] : memref<8388608xf32, #tpu.memory_space<hbm>> -> memref<8192xf32, #tpu.memory_space<hbm>>
    %dma_start3A_5 = tpu.memref_slice %arg3[%add3A_4] : memref<8388608xf32, #tpu.memory_space<hbm>> -> memref<8192xf32, #tpu.memory_space<hbm>>
    tpu.enqueue_dma source(%dma_start3A_5 : memref<8192xf32, #tpu.memory_space<hbm>>) target(%arg5 : memref<8192xf32, #tpu.memory_space<vmem>>) target_semaphore(%arg15 : memref<!tpu.dma_semaphore, #tpu.memory_space<semaphore_mem>>)
    %add3A_6 = arith.constant 0 : i32
    %add3A_7 = arith.addi %mul3A_2, %add3A_6 : i32
    %dma_start3A_8 = arith.constant 0 : i32
    %dma_start3A_9 = tpu.memref_slice %arg2[%dma_start3A_8, %add3A_7] : memref<4x8388608xf32, #tpu.memory_space<hbm>> -> memref<1x8192xf32, #tpu.memory_space<hbm>>
    %dma_start3A_10 = tpu.memref_squeeze %dma_start3A_9 : memref<1x8192xf32, #tpu.memory_space<hbm>> -> memref<8192xf32, #tpu.memory_space<hbm>>
    %dma_start3A_11 = tpu.memref_slice %arg2[%dma_start3A_8, %add3A_7] : memref<4x8388608xf32, #tpu.memory_space<hbm>> -> memref<1x8192xf32, #tpu.memory_space<hbm>>
    %dma_start3A_12 = tpu.memref_squeeze %dma_start3A_11 : memref<1x8192xf32, #tpu.memory_space<hbm>> -> memref<8192xf32, #tpu.memory_space<hbm>>
    tpu.enqueue_dma source(%dma_start3A_12 : memref<8192xf32, #tpu.memory_space<hbm>>) target(%arg7 : memref<8192xf32, #tpu.memory_space<vmem>>) target_semaphore(%arg17 : memref<!tpu.dma_semaphore, #tpu.memory_space<semaphore_mem>>)
    %add3A_13 = arith.constant 0 : i32
    %add3A_14 = arith.addi %mul3A_2, %add3A_13 : i32
    %dma_start3A_15 = arith.constant 1 : i32
    %dma_start3A_16 = tpu.memref_slice %arg2[%dma_start3A_15, %add3A_14] : memref<4x8388608xf32, #tpu.memory_space<hbm>> -> memref<1x8192xf32, #tpu.memory_space<hbm>>
    %dma_start3A_17 = tpu.memref_squeeze %dma_start3A_16 : memref<1x8192xf32, #tpu.memory_space<hbm>> -> memref<8192xf32, #tpu.memory_space<hbm>>
    %dma_start3A_18 = tpu.memref_slice %arg2[%dma_start3A_15, %add3A_14] : memref<4x8388608xf32, #tpu.memory_space<hbm>> -> memref<1x8192xf32, #tpu.memory_space<hbm>>
    %dma_start3A_19 = tpu.memref_squeeze %dma_start3A_18 : memref<1x8192xf32, #tpu.memory_space<hbm>> -> memref<8192xf32, #tpu.memory_space<hbm>>
    tpu.enqueue_dma source(%dma_start3A_19 : memref<8192xf32, #tpu.memory_space<hbm>>) target(%arg8 : memref<8192xf32, #tpu.memory_space<vmem>>) target_semaphore(%arg18 : memref<!tpu.dma_semaphore, #tpu.memory_space<semaphore_mem>>)
    %add3A_20 = arith.constant 0 : i32
    %add3A_21 = arith.addi %mul3A_2, %add3A_20 : i32
    %dma_start3A_22 = arith.constant 2 : i32
    %dma_start3A_23 = tpu.memref_slice %arg2[%dma_start3A_22, %add3A_21] : memref<4x8388608xf32, #tpu.memory_space<hbm>> -> memref<1x8192xf32, #tpu.memory_space<hbm>>
    %dma_start3A_24 = tpu.memref_squeeze %dma_start3A_23 : memref<1x8192xf32, #tpu.memory_space<hbm>> -> memref<8192xf32, #tpu.memory_space<hbm>>
    %dma_start3A_25 = tpu.memref_slice %arg2[%dma_start3A_22, %add3A_21] : memref<4x8388608xf32, #tpu.memory_space<hbm>> -> memref<1x8192xf32, #tpu.memory_space<hbm>>
    %dma_start3A_26 = tpu.memref_squeeze %dma_start3A_25 : memref<1x8192xf32, #tpu.memory_space<hbm>> -> memref<8192xf32, #tpu.memory_space<hbm>>
    tpu.enqueue_dma source(%dma_start3A_26 : memref<8192xf32, #tpu.memory_space<hbm>>) target(%arg9 : memref<8192xf32, #tpu.memory_space<vmem>>) target_semaphore(%arg19 : memref<!tpu.dma_semaphore, #tpu.memory_space<semaphore_mem>>)
    %add3A_27 = arith.constant 0 : i32
    %add3A_28 = arith.addi %mul3A_2, %add3A_27 : i32
    %dma_start3A_29 = arith.constant 3 : i32
    %dma_start3A_30 = tpu.memref_slice %arg2[%dma_start3A_29, %add3A_28] : memref<4x8388608xf32, #tpu.memory_space<hbm>> -> memref<1x8192xf32, #tpu.memory_space<hbm>>
    %dma_start3A_31 = tpu.memref_squeeze %dma_start3A_30 : memref<1x8192xf32, #tpu.memory_space<hbm>> -> memref<8192xf32, #tpu.memory_space<hbm>>
    %dma_start3A_32 = tpu.memref_slice %arg2[%dma_start3A_29, %add3A_28] : memref<4x8388608xf32, #tpu.memory_space<hbm>> -> memref<1x8192xf32, #tpu.memory_space<hbm>>
    %dma_start3A_33 = tpu.memref_squeeze %dma_start3A_32 : memref<1x8192xf32, #tpu.memory_space<hbm>> -> memref<8192xf32, #tpu.memory_space<hbm>>
    tpu.enqueue_dma source(%dma_start3A_33 : memref<8192xf32, #tpu.memory_space<hbm>>) target(%arg10 : memref<8192xf32, #tpu.memory_space<vmem>>) target_semaphore(%arg20 : memref<!tpu.dma_semaphore, #tpu.memory_space<semaphore_mem>>)
    %scan3A = arith.constant 0 : i32
    %scan3A_34 = arith.constant 0 : i32
    %scan3A_35 = arith.constant 16 : i32
    %scan3A_36 = arith.addi %scan3A_34, %scan3A_35 : i32
    %scan3A_37 = arith.constant 1 : i32
    %scan3A_38 = scf.for %scan3A_67 = %scan3A_34 to %scan3A_36 step %scan3A_37 iter_args(%scan3A_68 = %scan3A) -> (i32)  : i32 {
      %mul3A_69 = arith.constant 2 : i32
      %mul3A_70 = arith.muli %mul3A_69, %scan3A_67 : i32
      %add3A_71 = arith.constant 0 : i32
      %add3A_72 = arith.addi %mul3A_70, %add3A_71 : i32
      %add3A_73 = arith.constant 1 : i32
      %add3A_74 = arith.addi %add3A_72, %add3A_73 : i32
      %mul3A_75 = arith.constant 8192 : i32
      %mul3A_76 = arith.muli %add3A_74, %mul3A_75 : i32
      %add3A_77 = arith.addi %mul3A_2, %mul3A_76 : i32
      %dma_start3A_78 = tpu.memref_slice %arg3[%add3A_77] : memref<8388608xf32, #tpu.memory_space<hbm>> -> memref<8192xf32, #tpu.memory_space<hbm>>
      %dma_start3A_79 = tpu.memref_slice %arg3[%add3A_77] : memref<8388608xf32, #tpu.memory_space<hbm>> -> memref<8192xf32, #tpu.memory_space<hbm>>
      tpu.enqueue_dma source(%dma_start3A_79 : memref<8192xf32, #tpu.memory_space<hbm>>) target(%arg6 : memref<8192xf32, #tpu.memory_space<vmem>>) target_semaphore(%arg16 : memref<!tpu.dma_semaphore, #tpu.memory_space<semaphore_mem>>)
      %mul3A_80 = arith.constant 8192 : i32
      %mul3A_81 = arith.muli %add3A_72, %mul3A_80 : i32
      %add3A_82 = arith.addi %mul3A_2, %mul3A_81 : i32
      %dma_wait3A_83 = tpu.memref_slice %arg3[%add3A_82] : memref<8388608xf32, #tpu.memory_space<hbm>> -> memref<8192xf32, #tpu.memory_space<hbm>>
      %dma_wait3A_84 = tpu.memref_slice %arg3[%add3A_82] : memref<8388608xf32, #tpu.memory_space<hbm>> -> memref<8192xf32, #tpu.memory_space<hbm>>
      tpu.wait_dma2 semaphore(%arg15 : memref<!tpu.dma_semaphore, #tpu.memory_space<semaphore_mem>>) src(%dma_wait3A_84 : memref<8192xf32, #tpu.memory_space<hbm>>) dst(%arg5 : memref<8192xf32, #tpu.memory_space<vmem>>)
      %mul3A_85 = arith.constant 8192 : i32
      %mul3A_86 = arith.muli %add3A_72, %mul3A_85 : i32
      %add3A_87 = arith.addi %mul3A_2, %mul3A_86 : i32
      %dma_wait3A_88 = arith.constant 0 : i32
      %dma_wait3A_89 = tpu.memref_slice %arg2[%dma_wait3A_88, %add3A_87] : memref<4x8388608xf32, #tpu.memory_space<hbm>> -> memref<1x8192xf32, #tpu.memory_space<hbm>>
      %dma_wait3A_90 = tpu.memref_squeeze %dma_wait3A_89 : memref<1x8192xf32, #tpu.memory_space<hbm>> -> memref<8192xf32, #tpu.memory_space<hbm>>
      %dma_wait3A_91 = tpu.memref_slice %arg2[%dma_wait3A_88, %add3A_87] : memref<4x8388608xf32, #tpu.memory_space<hbm>> -> memref<1x8192xf32, #tpu.memory_space<hbm>>
      %dma_wait3A_92 = tpu.memref_squeeze %dma_wait3A_91 : memref<1x8192xf32, #tpu.memory_space<hbm>> -> memref<8192xf32, #tpu.memory_space<hbm>>
      tpu.wait_dma2 semaphore(%arg17 : memref<!tpu.dma_semaphore, #tpu.memory_space<semaphore_mem>>) src(%dma_wait3A_92 : memref<8192xf32, #tpu.memory_space<hbm>>) dst(%arg7 : memref<8192xf32, #tpu.memory_space<vmem>>)
      %gt3A = arith.constant 0 : i32
      %gt3A_93 = arith.cmpi sgt, %scan3A_67, %gt3A : i32
      %convert_element_type3A = arith.extui %gt3A_93 : i1 to i32
      %cond3A = arith.constant 0 : i32
      %cond3A_94 = arith.cmpi ne, %convert_element_type3A, %cond3A : i32
      scf.if %cond3A_94 {
        %sub3A_343 = arith.constant 1 : i32
        %sub3A_344 = arith.subi %add3A_72, %sub3A_343 : i32
        %mul3A_345 = arith.constant 8192 : i32
        %mul3A_346 = arith.muli %sub3A_344, %mul3A_345 : i32
        %add3A_347 = arith.addi %mul3A_2, %mul3A_346 : i32
        %dma_wait3A_348 = arith.constant 0 : i32
        %dma_wait3A_349 = tpu.memref_slice %arg4[%dma_wait3A_348, %add3A_347] : memref<4x8388608xf32, #tpu.memory_space<hbm>> -> memref<1x8192xf32, #tpu.memory_space<hbm>>
        %dma_wait3A_350 = tpu.memref_squeeze %dma_wait3A_349 : memref<1x8192xf32, #tpu.memory_space<hbm>> -> memref<8192xf32, #tpu.memory_space<hbm>>
        %dma_wait3A_351 = tpu.memref_slice %arg4[%dma_wait3A_348, %add3A_347] : memref<4x8388608xf32, #tpu.memory_space<hbm>> -> memref<1x8192xf32, #tpu.memory_space<hbm>>
        %dma_wait3A_352 = tpu.memref_squeeze %dma_wait3A_351 : memref<1x8192xf32, #tpu.memory_space<hbm>> -> memref<8192xf32, #tpu.memory_space<hbm>>
        tpu.wait_dma2 semaphore(%arg21 : memref<!tpu.dma_semaphore, #tpu.memory_space<semaphore_mem>>) src(%arg11 : memref<8192xf32, #tpu.memory_space<vmem>>) dst(%dma_wait3A_352 : memref<8192xf32, #tpu.memory_space<hbm>>)
      } else {
      }
      %mul3A_95 = arith.constant 8192 : i32
      %mul3A_96 = arith.muli %add3A_72, %mul3A_95 : i32
      %add3A_97 = arith.addi %mul3A_2, %mul3A_96 : i32
      %dma_start3A_98 = arith.constant 0 : i32
      %dma_start3A_99 = tpu.memref_slice %arg4[%dma_start3A_98, %add3A_97] : memref<4x8388608xf32, #tpu.memory_space<hbm>> -> memref<1x8192xf32, #tpu.memory_space<hbm>>
      %dma_start3A_100 = tpu.memref_squeeze %dma_start3A_99 : memref<1x8192xf32, #tpu.memory_space<hbm>> -> memref<8192xf32, #tpu.memory_space<hbm>>
      %dma_start3A_101 = tpu.memref_slice %arg4[%dma_start3A_98, %add3A_97] : memref<4x8388608xf32, #tpu.memory_space<hbm>> -> memref<1x8192xf32, #tpu.memory_space<hbm>>
      %dma_start3A_102 = tpu.memref_squeeze %dma_start3A_101 : memref<1x8192xf32, #tpu.memory_space<hbm>> -> memref<8192xf32, #tpu.memory_space<hbm>>
      tpu.enqueue_dma source(%arg11 : memref<8192xf32, #tpu.memory_space<vmem>>) target(%dma_start3A_102 : memref<8192xf32, #tpu.memory_space<hbm>>) target_semaphore(%arg21 : memref<!tpu.dma_semaphore, #tpu.memory_space<semaphore_mem>>)
      %add3A_103 = arith.constant 1 : i32
      %add3A_104 = arith.addi %add3A_72, %add3A_103 : i32
      %mul3A_105 = arith.constant 8192 : i32
      %mul3A_106 = arith.muli %add3A_104, %mul3A_105 : i32
      %add3A_107 = arith.addi %mul3A_2, %mul3A_106 : i32
      %dma_start3A_108 = arith.constant 0 : i32
      %dma_start3A_109 = tpu.memref_slice %arg2[%dma_start3A_108, %add3A_107] : memref<4x8388608xf32, #tpu.memory_space<hbm>> -> memref<1x8192xf32, #tpu.memory_space<hbm>>
      %dma_start3A_110 = tpu.memref_squeeze %dma_start3A_109 : memref<1x8192xf32, #tpu.memory_space<hbm>> -> memref<8192xf32, #tpu.memory_space<hbm>>
      %dma_start3A_111 = tpu.memref_slice %arg2[%dma_start3A_108, %add3A_107] : memref<4x8388608xf32, #tpu.memory_space<hbm>> -> memref<1x8192xf32, #tpu.memory_space<hbm>>
      %dma_start3A_112 = tpu.memref_squeeze %dma_start3A_111 : memref<1x8192xf32, #tpu.memory_space<hbm>> -> memref<8192xf32, #tpu.memory_space<hbm>>
      tpu.enqueue_dma source(%dma_start3A_112 : memref<8192xf32, #tpu.memory_space<hbm>>) target(%arg7 : memref<8192xf32, #tpu.memory_space<vmem>>) target_semaphore(%arg17 : memref<!tpu.dma_semaphore, #tpu.memory_space<semaphore_mem>>)
      %mul3A_113 = arith.constant 8192 : i32
      %mul3A_114 = arith.muli %add3A_72, %mul3A_113 : i32
      %add3A_115 = arith.addi %mul3A_2, %mul3A_114 : i32
      %dma_wait3A_116 = arith.constant 1 : i32
      %dma_wait3A_117 = tpu.memref_slice %arg2[%dma_wait3A_116, %add3A_115] : memref<4x8388608xf32, #tpu.memory_space<hbm>> -> memref<1x8192xf32, #tpu.memory_space<hbm>>
      %dma_wait3A_118 = tpu.memref_squeeze %dma_wait3A_117 : memref<1x8192xf32, #tpu.memory_space<hbm>> -> memref<8192xf32, #tpu.memory_space<hbm>>
      %dma_wait3A_119 = tpu.memref_slice %arg2[%dma_wait3A_116, %add3A_115] : memref<4x8388608xf32, #tpu.memory_space<hbm>> -> memref<1x8192xf32, #tpu.memory_space<hbm>>
      %dma_wait3A_120 = tpu.memref_squeeze %dma_wait3A_119 : memref<1x8192xf32, #tpu.memory_space<hbm>> -> memref<8192xf32, #tpu.memory_space<hbm>>
      tpu.wait_dma2 semaphore(%arg18 : memref<!tpu.dma_semaphore, #tpu.memory_space<semaphore_mem>>) src(%dma_wait3A_120 : memref<8192xf32, #tpu.memory_space<hbm>>) dst(%arg8 : memref<8192xf32, #tpu.memory_space<vmem>>)
      %gt3A_121 = arith.constant 0 : i32
      %gt3A_122 = arith.cmpi sgt, %scan3A_67, %gt3A_121 : i32
      %convert_element_type3A_123 = arith.extui %gt3A_122 : i1 to i32
      %cond3A_124 = arith.constant 0 : i32
      %cond3A_125 = arith.cmpi ne, %convert_element_type3A_123, %cond3A_124 : i32
      scf.if %cond3A_125 {
        %sub3A_343 = arith.constant 1 : i32
        %sub3A_344 = arith.subi %add3A_72, %sub3A_343 : i32
        %mul3A_345 = arith.constant 8192 : i32
        %mul3A_346 = arith.muli %sub3A_344, %mul3A_345 : i32
        %add3A_347 = arith.addi %mul3A_2, %mul3A_346 : i32
        %dma_wait3A_348 = arith.constant 1 : i32
        %dma_wait3A_349 = tpu.memref_slice %arg4[%dma_wait3A_348, %add3A_347] : memref<4x8388608xf32, #tpu.memory_space<hbm>> -> memref<1x8192xf32, #tpu.memory_space<hbm>>
        %dma_wait3A_350 = tpu.memref_squeeze %dma_wait3A_349 : memref<1x8192xf32, #tpu.memory_space<hbm>> -> memref<8192xf32, #tpu.memory_space<hbm>>
        %dma_wait3A_351 = tpu.memref_slice %arg4[%dma_wait3A_348, %add3A_347] : memref<4x8388608xf32, #tpu.memory_space<hbm>> -> memref<1x8192xf32, #tpu.memory_space<hbm>>
        %dma_wait3A_352 = tpu.memref_squeeze %dma_wait3A_351 : memref<1x8192xf32, #tpu.memory_space<hbm>> -> memref<8192xf32, #tpu.memory_space<hbm>>
        tpu.wait_dma2 semaphore(%arg22 : memref<!tpu.dma_semaphore, #tpu.memory_space<semaphore_mem>>) src(%arg12 : memref<8192xf32, #tpu.memory_space<vmem>>) dst(%dma_wait3A_352 : memref<8192xf32, #tpu.memory_space<hbm>>)
      } else {
      }
      %mul3A_126 = arith.constant 8192 : i32
      %mul3A_127 = arith.muli %add3A_72, %mul3A_126 : i32
      %add3A_128 = arith.addi %mul3A_2, %mul3A_127 : i32
      %dma_start3A_129 = arith.constant 1 : i32
      %dma_start3A_130 = tpu.memref_slice %arg4[%dma_start3A_129, %add3A_128] : memref<4x8388608xf32, #tpu.memory_space<hbm>> -> memref<1x8192xf32, #tpu.memory_space<hbm>>
      %dma_start3A_131 = tpu.memref_squeeze %dma_start3A_130 : memref<1x8192xf32, #tpu.memory_space<hbm>> -> memref<8192xf32, #tpu.memory_space<hbm>>
      %dma_start3A_132 = tpu.memref_slice %arg4[%dma_start3A_129, %add3A_128] : memref<4x8388608xf32, #tpu.memory_space<hbm>> -> memref<1x8192xf32, #tpu.memory_space<hbm>>
      %dma_start3A_133 = tpu.memref_squeeze %dma_start3A_132 : memref<1x8192xf32, #tpu.memory_space<hbm>> -> memref<8192xf32, #tpu.memory_space<hbm>>
      tpu.enqueue_dma source(%arg12 : memref<8192xf32, #tpu.memory_space<vmem>>) target(%dma_start3A_133 : memref<8192xf32, #tpu.memory_space<hbm>>) target_semaphore(%arg22 : memref<!tpu.dma_semaphore, #tpu.memory_space<semaphore_mem>>)
      %add3A_134 = arith.constant 1 : i32
      %add3A_135 = arith.addi %add3A_72, %add3A_134 : i32
      %mul3A_136 = arith.constant 8192 : i32
      %mul3A_137 = arith.muli %add3A_135, %mul3A_136 : i32
      %add3A_138 = arith.addi %mul3A_2, %mul3A_137 : i32
      %dma_start3A_139 = arith.constant 1 : i32
      %dma_start3A_140 = tpu.memref_slice %arg2[%dma_start3A_139, %add3A_138] : memref<4x8388608xf32, #tpu.memory_space<hbm>> -> memref<1x8192xf32, #tpu.memory_space<hbm>>
      %dma_start3A_141 = tpu.memref_squeeze %dma_start3A_140 : memref<1x8192xf32, #tpu.memory_space<hbm>> -> memref<8192xf32, #tpu.memory_space<hbm>>
      %dma_start3A_142 = tpu.memref_slice %arg2[%dma_start3A_139, %add3A_138] : memref<4x8388608xf32, #tpu.memory_space<hbm>> -> memref<1x8192xf32, #tpu.memory_space<hbm>>
      %dma_start3A_143 = tpu.memref_squeeze %dma_start3A_142 : memref<1x8192xf32, #tpu.memory_space<hbm>> -> memref<8192xf32, #tpu.memory_space<hbm>>
      tpu.enqueue_dma source(%dma_start3A_143 : memref<8192xf32, #tpu.memory_space<hbm>>) target(%arg8 : memref<8192xf32, #tpu.memory_space<vmem>>) target_semaphore(%arg18 : memref<!tpu.dma_semaphore, #tpu.memory_space<semaphore_mem>>)
      %mul3A_144 = arith.constant 8192 : i32
      %mul3A_145 = arith.muli %add3A_72, %mul3A_144 : i32
      %add3A_146 = arith.addi %mul3A_2, %mul3A_145 : i32
      %dma_wait3A_147 = arith.constant 2 : i32
      %dma_wait3A_148 = tpu.memref_slice %arg2[%dma_wait3A_147, %add3A_146] : memref<4x8388608xf32, #tpu.memory_space<hbm>> -> memref<1x8192xf32, #tpu.memory_space<hbm>>
      %dma_wait3A_149 = tpu.memref_squeeze %dma_wait3A_148 : memref<1x8192xf32, #tpu.memory_space<hbm>> -> memref<8192xf32, #tpu.memory_space<hbm>>
      %dma_wait3A_150 = tpu.memref_slice %arg2[%dma_wait3A_147, %add3A_146] : memref<4x8388608xf32, #tpu.memory_space<hbm>> -> memref<1x8192xf32, #tpu.memory_space<hbm>>
      %dma_wait3A_151 = tpu.memref_squeeze %dma_wait3A_150 : memref<1x8192xf32, #tpu.memory_space<hbm>> -> memref<8192xf32, #tpu.memory_space<hbm>>
      tpu.wait_dma2 semaphore(%arg19 : memref<!tpu.dma_semaphore, #tpu.memory_space<semaphore_mem>>) src(%dma_wait3A_151 : memref<8192xf32, #tpu.memory_space<hbm>>) dst(%arg9 : memref<8192xf32, #tpu.memory_space<vmem>>)
      %gt3A_152 = arith.constant 0 : i32
      %gt3A_153 = arith.cmpi sgt, %scan3A_67, %gt3A_152 : i32
      %convert_element_type3A_154 = arith.extui %gt3A_153 : i1 to i32
      %cond3A_155 = arith.constant 0 : i32
      %cond3A_156 = arith.cmpi ne, %convert_element_type3A_154, %cond3A_155 : i32
      scf.if %cond3A_156 {
        %sub3A_343 = arith.constant 1 : i32
        %sub3A_344 = arith.subi %add3A_72, %sub3A_343 : i32
        %mul3A_345 = arith.constant 8192 : i32
        %mul3A_346 = arith.muli %sub3A_344, %mul3A_345 : i32
        %add3A_347 = arith.addi %mul3A_2, %mul3A_346 : i32
        %dma_wait3A_348 = arith.constant 2 : i32
        %dma_wait3A_349 = tpu.memref_slice %arg4[%dma_wait3A_348, %add3A_347] : memref<4x8388608xf32, #tpu.memory_space<hbm>> -> memref<1x8192xf32, #tpu.memory_space<hbm>>
        %dma_wait3A_350 = tpu.memref_squeeze %dma_wait3A_349 : memref<1x8192xf32, #tpu.memory_space<hbm>> -> memref<8192xf32, #tpu.memory_space<hbm>>
        %dma_wait3A_351 = tpu.memref_slice %arg4[%dma_wait3A_348, %add3A_347] : memref<4x8388608xf32, #tpu.memory_space<hbm>> -> memref<1x8192xf32, #tpu.memory_space<hbm>>
        %dma_wait3A_352 = tpu.memref_squeeze %dma_wait3A_351 : memref<1x8192xf32, #tpu.memory_space<hbm>> -> memref<8192xf32, #tpu.memory_space<hbm>>
        tpu.wait_dma2 semaphore(%arg23 : memref<!tpu.dma_semaphore, #tpu.memory_space<semaphore_mem>>) src(%arg13 : memref<8192xf32, #tpu.memory_space<vmem>>) dst(%dma_wait3A_352 : memref<8192xf32, #tpu.memory_space<hbm>>)
      } else {
      }
      %mul3A_157 = arith.constant 8192 : i32
      %mul3A_158 = arith.muli %add3A_72, %mul3A_157 : i32
      %add3A_159 = arith.addi %mul3A_2, %mul3A_158 : i32
      %dma_start3A_160 = arith.constant 2 : i32
      %dma_start3A_161 = tpu.memref_slice %arg4[%dma_start3A_160, %add3A_159] : memref<4x8388608xf32, #tpu.memory_space<hbm>> -> memref<1x8192xf32, #tpu.memory_space<hbm>>
      %dma_start3A_162 = tpu.memref_squeeze %dma_start3A_161 : memref<1x8192xf32, #tpu.memory_space<hbm>> -> memref<8192xf32, #tpu.memory_space<hbm>>
      %dma_start3A_163 = tpu.memref_slice %arg4[%dma_start3A_160, %add3A_159] : memref<4x8388608xf32, #tpu.memory_space<hbm>> -> memref<1x8192xf32, #tpu.memory_space<hbm>>
      %dma_start3A_164 = tpu.memref_squeeze %dma_start3A_163 : memref<1x8192xf32, #tpu.memory_space<hbm>> -> memref<8192xf32, #tpu.memory_space<hbm>>
      tpu.enqueue_dma source(%arg13 : memref<8192xf32, #tpu.memory_space<vmem>>) target(%dma_start3A_164 : memref<8192xf32, #tpu.memory_space<hbm>>) target_semaphore(%arg23 : memref<!tpu.dma_semaphore, #tpu.memory_space<semaphore_mem>>)
      %add3A_165 = arith.constant 1 : i32
      %add3A_166 = arith.addi %add3A_72, %add3A_165 : i32
      %mul3A_167 = arith.constant 8192 : i32
      %mul3A_168 = arith.muli %add3A_166, %mul3A_167 : i32
      %add3A_169 = arith.addi %mul3A_2, %mul3A_168 : i32
      %dma_start3A_170 = arith.constant 2 : i32
      %dma_start3A_171 = tpu.memref_slice %arg2[%dma_start3A_170, %add3A_169] : memref<4x8388608xf32, #tpu.memory_space<hbm>> -> memref<1x8192xf32, #tpu.memory_space<hbm>>
      %dma_start3A_172 = tpu.memref_squeeze %dma_start3A_171 : memref<1x8192xf32, #tpu.memory_space<hbm>> -> memref<8192xf32, #tpu.memory_space<hbm>>
      %dma_start3A_173 = tpu.memref_slice %arg2[%dma_start3A_170, %add3A_169] : memref<4x8388608xf32, #tpu.memory_space<hbm>> -> memref<1x8192xf32, #tpu.memory_space<hbm>>
      %dma_start3A_174 = tpu.memref_squeeze %dma_start3A_173 : memref<1x8192xf32, #tpu.memory_space<hbm>> -> memref<8192xf32, #tpu.memory_space<hbm>>
      tpu.enqueue_dma source(%dma_start3A_174 : memref<8192xf32, #tpu.memory_space<hbm>>) target(%arg9 : memref<8192xf32, #tpu.memory_space<vmem>>) target_semaphore(%arg19 : memref<!tpu.dma_semaphore, #tpu.memory_space<semaphore_mem>>)
      %mul3A_175 = arith.constant 8192 : i32
      %mul3A_176 = arith.muli %add3A_72, %mul3A_175 : i32
      %add3A_177 = arith.addi %mul3A_2, %mul3A_176 : i32
      %dma_wait3A_178 = arith.constant 3 : i32
      %dma_wait3A_179 = tpu.memref_slice %arg2[%dma_wait3A_178, %add3A_177] : memref<4x8388608xf32, #tpu.memory_space<hbm>> -> memref<1x8192xf32, #tpu.memory_space<hbm>>
      %dma_wait3A_180 = tpu.memref_squeeze %dma_wait3A_179 : memref<1x8192xf32, #tpu.memory_space<hbm>> -> memref<8192xf32, #tpu.memory_space<hbm>>
      %dma_wait3A_181 = tpu.memref_slice %arg2[%dma_wait3A_178, %add3A_177] : memref<4x8388608xf32, #tpu.memory_space<hbm>> -> memref<1x8192xf32, #tpu.memory_space<hbm>>
      %dma_wait3A_182 = tpu.memref_squeeze %dma_wait3A_181 : memref<1x8192xf32, #tpu.memory_space<hbm>> -> memref<8192xf32, #tpu.memory_space<hbm>>
      tpu.wait_dma2 semaphore(%arg20 : memref<!tpu.dma_semaphore, #tpu.memory_space<semaphore_mem>>) src(%dma_wait3A_182 : memref<8192xf32, #tpu.memory_space<hbm>>) dst(%arg10 : memref<8192xf32, #tpu.memory_space<vmem>>)
      %gt3A_183 = arith.constant 0 : i32
      %gt3A_184 = arith.cmpi sgt, %scan3A_67, %gt3A_183 : i32
      %convert_element_type3A_185 = arith.extui %gt3A_184 : i1 to i32
      %cond3A_186 = arith.constant 0 : i32
      %cond3A_187 = arith.cmpi ne, %convert_element_type3A_185, %cond3A_186 : i32
      scf.if %cond3A_187 {
        %sub3A_343 = arith.constant 1 : i32
        %sub3A_344 = arith.subi %add3A_72, %sub3A_343 : i32
        %mul3A_345 = arith.constant 8192 : i32
        %mul3A_346 = arith.muli %sub3A_344, %mul3A_345 : i32
        %add3A_347 = arith.addi %mul3A_2, %mul3A_346 : i32
        %dma_wait3A_348 = arith.constant 3 : i32
        %dma_wait3A_349 = tpu.memref_slice %arg4[%dma_wait3A_348, %add3A_347] : memref<4x8388608xf32, #tpu.memory_space<hbm>> -> memref<1x8192xf32, #tpu.memory_space<hbm>>
        %dma_wait3A_350 = tpu.memref_squeeze %dma_wait3A_349 : memref<1x8192xf32, #tpu.memory_space<hbm>> -> memref<8192xf32, #tpu.memory_space<hbm>>
        %dma_wait3A_351 = tpu.memref_slice %arg4[%dma_wait3A_348, %add3A_347] : memref<4x8388608xf32, #tpu.memory_space<hbm>> -> memref<1x8192xf32, #tpu.memory_space<hbm>>
        %dma_wait3A_352 = tpu.memref_squeeze %dma_wait3A_351 : memref<1x8192xf32, #tpu.memory_space<hbm>> -> memref<8192xf32, #tpu.memory_space<hbm>>
        tpu.wait_dma2 semaphore(%arg24 : memref<!tpu.dma_semaphore, #tpu.memory_space<semaphore_mem>>) src(%arg14 : memref<8192xf32, #tpu.memory_space<vmem>>) dst(%dma_wait3A_352 : memref<8192xf32, #tpu.memory_space<hbm>>)
      } else {
      }
      %mul3A_188 = arith.constant 8192 : i32
      %mul3A_189 = arith.muli %add3A_72, %mul3A_188 : i32
      %add3A_190 = arith.addi %mul3A_2, %mul3A_189 : i32
      %dma_start3A_191 = arith.constant 3 : i32
      %dma_start3A_192 = tpu.memref_slice %arg4[%dma_start3A_191, %add3A_190] : memref<4x8388608xf32, #tpu.memory_space<hbm>> -> memref<1x8192xf32, #tpu.memory_space<hbm>>
      %dma_start3A_193 = tpu.memref_squeeze %dma_start3A_192 : memref<1x8192xf32, #tpu.memory_space<hbm>> -> memref<8192xf32, #tpu.memory_space<hbm>>
      %dma_start3A_194 = tpu.memref_slice %arg4[%dma_start3A_191, %add3A_190] : memref<4x8388608xf32, #tpu.memory_space<hbm>> -> memref<1x8192xf32, #tpu.memory_space<hbm>>
      %dma_start3A_195 = tpu.memref_squeeze %dma_start3A_194 : memref<1x8192xf32, #tpu.memory_space<hbm>> -> memref<8192xf32, #tpu.memory_space<hbm>>
      tpu.enqueue_dma source(%arg14 : memref<8192xf32, #tpu.memory_space<vmem>>) target(%dma_start3A_195 : memref<8192xf32, #tpu.memory_space<hbm>>) target_semaphore(%arg24 : memref<!tpu.dma_semaphore, #tpu.memory_space<semaphore_mem>>)
      %add3A_196 = arith.constant 1 : i32
      %add3A_197 = arith.addi %add3A_72, %add3A_196 : i32
      %mul3A_198 = arith.constant 8192 : i32
      %mul3A_199 = arith.muli %add3A_197, %mul3A_198 : i32
      %add3A_200 = arith.addi %mul3A_2, %mul3A_199 : i32
      %dma_start3A_201 = arith.constant 3 : i32
      %dma_start3A_202 = tpu.memref_slice %arg2[%dma_start3A_201, %add3A_200] : memref<4x8388608xf32, #tpu.memory_space<hbm>> -> memref<1x8192xf32, #tpu.memory_space<hbm>>
      %dma_start3A_203 = tpu.memref_squeeze %dma_start3A_202 : memref<1x8192xf32, #tpu.memory_space<hbm>> -> memref<8192xf32, #tpu.memory_space<hbm>>
      %dma_start3A_204 = tpu.memref_slice %arg2[%dma_start3A_201, %add3A_200] : memref<4x8388608xf32, #tpu.memory_space<hbm>> -> memref<1x8192xf32, #tpu.memory_space<hbm>>
      %dma_start3A_205 = tpu.memref_squeeze %dma_start3A_204 : memref<1x8192xf32, #tpu.memory_space<hbm>> -> memref<8192xf32, #tpu.memory_space<hbm>>
      tpu.enqueue_dma source(%dma_start3A_205 : memref<8192xf32, #tpu.memory_space<hbm>>) target(%arg10 : memref<8192xf32, #tpu.memory_space<vmem>>) target_semaphore(%arg20 : memref<!tpu.dma_semaphore, #tpu.memory_space<semaphore_mem>>)
      %mul3A_206 = arith.constant 2 : i32
      %mul3A_207 = arith.muli %mul3A_206, %scan3A_67 : i32
      %add3A_208 = arith.constant 1 : i32
      %add3A_209 = arith.addi %mul3A_207, %add3A_208 : i32
      %lt3A = arith.constant 15 : i32
      %lt3A_210 = arith.cmpi slt, %scan3A_67, %lt3A : i32
      %convert_element_type3A_211 = arith.extui %lt3A_210 : i1 to i32
      %cond3A_212 = arith.constant 0 : i32
      %cond3A_213 = arith.cmpi ne, %convert_element_type3A_211, %cond3A_212 : i32
      scf.if %cond3A_213 {
        %add3A_343 = arith.constant 1 : i32
        %add3A_344 = arith.addi %add3A_209, %add3A_343 : i32
        %mul3A_345 = arith.constant 8192 : i32
        %mul3A_346 = arith.muli %add3A_344, %mul3A_345 : i32
        %add3A_347 = arith.addi %mul3A_2, %mul3A_346 : i32
        %dma_start3A_348 = tpu.memref_slice %arg3[%add3A_347] : memref<8388608xf32, #tpu.memory_space<hbm>> -> memref<8192xf32, #tpu.memory_space<hbm>>
        %dma_start3A_349 = tpu.memref_slice %arg3[%add3A_347] : memref<8388608xf32, #tpu.memory_space<hbm>> -> memref<8192xf32, #tpu.memory_space<hbm>>
        tpu.enqueue_dma source(%dma_start3A_349 : memref<8192xf32, #tpu.memory_space<hbm>>) target(%arg5 : memref<8192xf32, #tpu.memory_space<vmem>>) target_semaphore(%arg15 : memref<!tpu.dma_semaphore, #tpu.memory_space<semaphore_mem>>)
      } else {
      }
      %mul3A_214 = arith.constant 8192 : i32
      %mul3A_215 = arith.muli %add3A_209, %mul3A_214 : i32
      %add3A_216 = arith.addi %mul3A_2, %mul3A_215 : i32
      %dma_wait3A_217 = tpu.memref_slice %arg3[%add3A_216] : memref<8388608xf32, #tpu.memory_space<hbm>> -> memref<8192xf32, #tpu.memory_space<hbm>>
      %dma_wait3A_218 = tpu.memref_slice %arg3[%add3A_216] : memref<8388608xf32, #tpu.memory_space<hbm>> -> memref<8192xf32, #tpu.memory_space<hbm>>
      tpu.wait_dma2 semaphore(%arg16 : memref<!tpu.dma_semaphore, #tpu.memory_space<semaphore_mem>>) src(%dma_wait3A_218 : memref<8192xf32, #tpu.memory_space<hbm>>) dst(%arg6 : memref<8192xf32, #tpu.memory_space<vmem>>)
      %mul3A_219 = arith.constant 8192 : i32
      %mul3A_220 = arith.muli %add3A_209, %mul3A_219 : i32
      %add3A_221 = arith.addi %mul3A_2, %mul3A_220 : i32
      %dma_wait3A_222 = arith.constant 0 : i32
      %dma_wait3A_223 = tpu.memref_slice %arg2[%dma_wait3A_222, %add3A_221] : memref<4x8388608xf32, #tpu.memory_space<hbm>> -> memref<1x8192xf32, #tpu.memory_space<hbm>>
      %dma_wait3A_224 = tpu.memref_squeeze %dma_wait3A_223 : memref<1x8192xf32, #tpu.memory_space<hbm>> -> memref<8192xf32, #tpu.memory_space<hbm>>
      %dma_wait3A_225 = tpu.memref_slice %arg2[%dma_wait3A_222, %add3A_221] : memref<4x8388608xf32, #tpu.memory_space<hbm>> -> memref<1x8192xf32, #tpu.memory_space<hbm>>
      %dma_wait3A_226 = tpu.memref_squeeze %dma_wait3A_225 : memref<1x8192xf32, #tpu.memory_space<hbm>> -> memref<8192xf32, #tpu.memory_space<hbm>>
      tpu.wait_dma2 semaphore(%arg17 : memref<!tpu.dma_semaphore, #tpu.memory_space<semaphore_mem>>) src(%dma_wait3A_226 : memref<8192xf32, #tpu.memory_space<hbm>>) dst(%arg7 : memref<8192xf32, #tpu.memory_space<vmem>>)
      %sub3A = arith.constant 1 : i32
      %sub3A_227 = arith.subi %add3A_209, %sub3A : i32
      %mul3A_228 = arith.constant 8192 : i32
      %mul3A_229 = arith.muli %sub3A_227, %mul3A_228 : i32
      %add3A_230 = arith.addi %mul3A_2, %mul3A_229 : i32
      %dma_wait3A_231 = arith.constant 0 : i32
      %dma_wait3A_232 = tpu.memref_slice %arg4[%dma_wait3A_231, %add3A_230] : memref<4x8388608xf32, #tpu.memory_space<hbm>> -> memref<1x8192xf32, #tpu.memory_space<hbm>>
      %dma_wait3A_233 = tpu.memref_squeeze %dma_wait3A_232 : memref<1x8192xf32, #tpu.memory_space<hbm>> -> memref<8192xf32, #tpu.memory_space<hbm>>
      %dma_wait3A_234 = tpu.memref_slice %arg4[%dma_wait3A_231, %add3A_230] : memref<4x8388608xf32, #tpu.memory_space<hbm>> -> memref<1x8192xf32, #tpu.memory_space<hbm>>
      %dma_wait3A_235 = tpu.memref_squeeze %dma_wait3A_234 : memref<1x8192xf32, #tpu.memory_space<hbm>> -> memref<8192xf32, #tpu.memory_space<hbm>>
      tpu.wait_dma2 semaphore(%arg21 : memref<!tpu.dma_semaphore, #tpu.memory_space<semaphore_mem>>) src(%arg11 : memref<8192xf32, #tpu.memory_space<vmem>>) dst(%dma_wait3A_235 : memref<8192xf32, #tpu.memory_space<hbm>>)
      %mul3A_236 = arith.constant 8192 : i32
      %mul3A_237 = arith.muli %add3A_209, %mul3A_236 : i32
      %add3A_238 = arith.addi %mul3A_2, %mul3A_237 : i32
      %dma_start3A_239 = arith.constant 0 : i32
      %dma_start3A_240 = tpu.memref_slice %arg4[%dma_start3A_239, %add3A_238] : memref<4x8388608xf32, #tpu.memory_space<hbm>> -> memref<1x8192xf32, #tpu.memory_space<hbm>>
      %dma_start3A_241 = tpu.memref_squeeze %dma_start3A_240 : memref<1x8192xf32, #tpu.memory_space<hbm>> -> memref<8192xf32, #tpu.memory_space<hbm>>
      %dma_start3A_242 = tpu.memref_slice %arg4[%dma_start3A_239, %add3A_238] : memref<4x8388608xf32, #tpu.memory_space<hbm>> -> memref<1x8192xf32, #tpu.memory_space<hbm>>
      %dma_start3A_243 = tpu.memref_squeeze %dma_start3A_242 : memref<1x8192xf32, #tpu.memory_space<hbm>> -> memref<8192xf32, #tpu.memory_space<hbm>>
      tpu.enqueue_dma source(%arg11 : memref<8192xf32, #tpu.memory_space<vmem>>) target(%dma_start3A_243 : memref<8192xf32, #tpu.memory_space<hbm>>) target_semaphore(%arg21 : memref<!tpu.dma_semaphore, #tpu.memory_space<semaphore_mem>>)
      %lt3A_244 = arith.constant 15 : i32
      %lt3A_245 = arith.cmpi slt, %scan3A_67, %lt3A_244 : i32
      %convert_element_type3A_246 = arith.extui %lt3A_245 : i1 to i32
      %cond3A_247 = arith.constant 0 : i32
      %cond3A_248 = arith.cmpi ne, %convert_element_type3A_246, %cond3A_247 : i32
      scf.if %cond3A_248 {
        %add3A_343 = arith.constant 1 : i32
        %add3A_344 = arith.addi %add3A_209, %add3A_343 : i32
        %mul3A_345 = arith.constant 8192 : i32
        %mul3A_346 = arith.muli %add3A_344, %mul3A_345 : i32
        %add3A_347 = arith.addi %mul3A_2, %mul3A_346 : i32
        %dma_start3A_348 = arith.constant 0 : i32
        %dma_start3A_349 = tpu.memref_slice %arg2[%dma_start3A_348, %add3A_347] : memref<4x8388608xf32, #tpu.memory_space<hbm>> -> memref<1x8192xf32, #tpu.memory_space<hbm>>
        %dma_start3A_350 = tpu.memref_squeeze %dma_start3A_349 : memref<1x8192xf32, #tpu.memory_space<hbm>> -> memref<8192xf32, #tpu.memory_space<hbm>>
        %dma_start3A_351 = tpu.memref_slice %arg2[%dma_start3A_348, %add3A_347] : memref<4x8388608xf32, #tpu.memory_space<hbm>> -> memref<1x8192xf32, #tpu.memory_space<hbm>>
        %dma_start3A_352 = tpu.memref_squeeze %dma_start3A_351 : memref<1x8192xf32, #tpu.memory_space<hbm>> -> memref<8192xf32, #tpu.memory_space<hbm>>
        tpu.enqueue_dma source(%dma_start3A_352 : memref<8192xf32, #tpu.memory_space<hbm>>) target(%arg7 : memref<8192xf32, #tpu.memory_space<vmem>>) target_semaphore(%arg17 : memref<!tpu.dma_semaphore, #tpu.memory_space<semaphore_mem>>)
      } else {
      }
      %mul3A_249 = arith.constant 8192 : i32
      %mul3A_250 = arith.muli %add3A_209, %mul3A_249 : i32
      %add3A_251 = arith.addi %mul3A_2, %mul3A_250 : i32
      %dma_wait3A_252 = arith.constant 1 : i32
      %dma_wait3A_253 = tpu.memref_slice %arg2[%dma_wait3A_252, %add3A_251] : memref<4x8388608xf32, #tpu.memory_space<hbm>> -> memref<1x8192xf32, #tpu.memory_space<hbm>>
      %dma_wait3A_254 = tpu.memref_squeeze %dma_wait3A_253 : memref<1x8192xf32, #tpu.memory_space<hbm>> -> memref<8192xf32, #tpu.memory_space<hbm>>
      %dma_wait3A_255 = tpu.memref_slice %arg2[%dma_wait3A_252, %add3A_251] : memref<4x8388608xf32, #tpu.memory_space<hbm>> -> memref<1x8192xf32, #tpu.memory_space<hbm>>
      %dma_wait3A_256 = tpu.memref_squeeze %dma_wait3A_255 : memref<1x8192xf32, #tpu.memory_space<hbm>> -> memref<8192xf32, #tpu.memory_space<hbm>>
      tpu.wait_dma2 semaphore(%arg18 : memref<!tpu.dma_semaphore, #tpu.memory_space<semaphore_mem>>) src(%dma_wait3A_256 : memref<8192xf32, #tpu.memory_space<hbm>>) dst(%arg8 : memref<8192xf32, #tpu.memory_space<vmem>>)
      %sub3A_257 = arith.constant 1 : i32
      %sub3A_258 = arith.subi %add3A_209, %sub3A_257 : i32
      %mul3A_259 = arith.constant 8192 : i32
      %mul3A_260 = arith.muli %sub3A_258, %mul3A_259 : i32
      %add3A_261 = arith.addi %mul3A_2, %mul3A_260 : i32
      %dma_wait3A_262 = arith.constant 1 : i32
      %dma_wait3A_263 = tpu.memref_slice %arg4[%dma_wait3A_262, %add3A_261] : memref<4x8388608xf32, #tpu.memory_space<hbm>> -> memref<1x8192xf32, #tpu.memory_space<hbm>>
      %dma_wait3A_264 = tpu.memref_squeeze %dma_wait3A_263 : memref<1x8192xf32, #tpu.memory_space<hbm>> -> memref<8192xf32, #tpu.memory_space<hbm>>
      %dma_wait3A_265 = tpu.memref_slice %arg4[%dma_wait3A_262, %add3A_261] : memref<4x8388608xf32, #tpu.memory_space<hbm>> -> memref<1x8192xf32, #tpu.memory_space<hbm>>
      %dma_wait3A_266 = tpu.memref_squeeze %dma_wait3A_265 : memref<1x8192xf32, #tpu.memory_space<hbm>> -> memref<8192xf32, #tpu.memory_space<hbm>>
      tpu.wait_dma2 semaphore(%arg22 : memref<!tpu.dma_semaphore, #tpu.memory_space<semaphore_mem>>) src(%arg12 : memref<8192xf32, #tpu.memory_space<vmem>>) dst(%dma_wait3A_266 : memref<8192xf32, #tpu.memory_space<hbm>>)
      %mul3A_267 = arith.constant 8192 : i32
      %mul3A_268 = arith.muli %add3A_209, %mul3A_267 : i32
      %add3A_269 = arith.addi %mul3A_2, %mul3A_268 : i32
      %dma_start3A_270 = arith.constant 1 : i32
      %dma_start3A_271 = tpu.memref_slice %arg4[%dma_start3A_270, %add3A_269] : memref<4x8388608xf32, #tpu.memory_space<hbm>> -> memref<1x8192xf32, #tpu.memory_space<hbm>>
      %dma_start3A_272 = tpu.memref_squeeze %dma_start3A_271 : memref<1x8192xf32, #tpu.memory_space<hbm>> -> memref<8192xf32, #tpu.memory_space<hbm>>
      %dma_start3A_273 = tpu.memref_slice %arg4[%dma_start3A_270, %add3A_269] : memref<4x8388608xf32, #tpu.memory_space<hbm>> -> memref<1x8192xf32, #tpu.memory_space<hbm>>
      %dma_start3A_274 = tpu.memref_squeeze %dma_start3A_273 : memref<1x8192xf32, #tpu.memory_space<hbm>> -> memref<8192xf32, #tpu.memory_space<hbm>>
      tpu.enqueue_dma source(%arg12 : memref<8192xf32, #tpu.memory_space<vmem>>) target(%dma_start3A_274 : memref<8192xf32, #tpu.memory_space<hbm>>) target_semaphore(%arg22 : memref<!tpu.dma_semaphore, #tpu.memory_space<semaphore_mem>>)
      %lt3A_275 = arith.constant 15 : i32
      %lt3A_276 = arith.cmpi slt, %scan3A_67, %lt3A_275 : i32
      %convert_element_type3A_277 = arith.extui %lt3A_276 : i1 to i32
      %cond3A_278 = arith.constant 0 : i32
      %cond3A_279 = arith.cmpi ne, %convert_element_type3A_277, %cond3A_278 : i32
      scf.if %cond3A_279 {
        %add3A_343 = arith.constant 1 : i32
        %add3A_344 = arith.addi %add3A_209, %add3A_343 : i32
        %mul3A_345 = arith.constant 8192 : i32
        %mul3A_346 = arith.muli %add3A_344, %mul3A_345 : i32
        %add3A_347 = arith.addi %mul3A_2, %mul3A_346 : i32
        %dma_start3A_348 = arith.constant 1 : i32
        %dma_start3A_349 = tpu.memref_slice %arg2[%dma_start3A_348, %add3A_347] : memref<4x8388608xf32, #tpu.memory_space<hbm>> -> memref<1x8192xf32, #tpu.memory_space<hbm>>
        %dma_start3A_350 = tpu.memref_squeeze %dma_start3A_349 : memref<1x8192xf32, #tpu.memory_space<hbm>> -> memref<8192xf32, #tpu.memory_space<hbm>>
        %dma_start3A_351 = tpu.memref_slice %arg2[%dma_start3A_348, %add3A_347] : memref<4x8388608xf32, #tpu.memory_space<hbm>> -> memref<1x8192xf32, #tpu.memory_space<hbm>>
        %dma_start3A_352 = tpu.memref_squeeze %dma_start3A_351 : memref<1x8192xf32, #tpu.memory_space<hbm>> -> memref<8192xf32, #tpu.memory_space<hbm>>
        tpu.enqueue_dma source(%dma_start3A_352 : memref<8192xf32, #tpu.memory_space<hbm>>) target(%arg8 : memref<8192xf32, #tpu.memory_space<vmem>>) target_semaphore(%arg18 : memref<!tpu.dma_semaphore, #tpu.memory_space<semaphore_mem>>)
      } else {
      }
      %mul3A_280 = arith.constant 8192 : i32
      %mul3A_281 = arith.muli %add3A_209, %mul3A_280 : i32
      %add3A_282 = arith.addi %mul3A_2, %mul3A_281 : i32
      %dma_wait3A_283 = arith.constant 2 : i32
      %dma_wait3A_284 = tpu.memref_slice %arg2[%dma_wait3A_283, %add3A_282] : memref<4x8388608xf32, #tpu.memory_space<hbm>> -> memref<1x8192xf32, #tpu.memory_space<hbm>>
      %dma_wait3A_285 = tpu.memref_squeeze %dma_wait3A_284 : memref<1x8192xf32, #tpu.memory_space<hbm>> -> memref<8192xf32, #tpu.memory_space<hbm>>
      %dma_wait3A_286 = tpu.memref_slice %arg2[%dma_wait3A_283, %add3A_282] : memref<4x8388608xf32, #tpu.memory_space<hbm>> -> memref<1x8192xf32, #tpu.memory_space<hbm>>
      %dma_wait3A_287 = tpu.memref_squeeze %dma_wait3A_286 : memref<1x8192xf32, #tpu.memory_space<hbm>> -> memref<8192xf32, #tpu.memory_space<hbm>>
      tpu.wait_dma2 semaphore(%arg19 : memref<!tpu.dma_semaphore, #tpu.memory_space<semaphore_mem>>) src(%dma_wait3A_287 : memref<8192xf32, #tpu.memory_space<hbm>>) dst(%arg9 : memref<8192xf32, #tpu.memory_space<vmem>>)
      %sub3A_288 = arith.constant 1 : i32
      %sub3A_289 = arith.subi %add3A_209, %sub3A_288 : i32
      %mul3A_290 = arith.constant 8192 : i32
      %mul3A_291 = arith.muli %sub3A_289, %mul3A_290 : i32
      %add3A_292 = arith.addi %mul3A_2, %mul3A_291 : i32
      %dma_wait3A_293 = arith.constant 2 : i32
      %dma_wait3A_294 = tpu.memref_slice %arg4[%dma_wait3A_293, %add3A_292] : memref<4x8388608xf32, #tpu.memory_space<hbm>> -> memref<1x8192xf32, #tpu.memory_space<hbm>>
      %dma_wait3A_295 = tpu.memref_squeeze %dma_wait3A_294 : memref<1x8192xf32, #tpu.memory_space<hbm>> -> memref<8192xf32, #tpu.memory_space<hbm>>
      %dma_wait3A_296 = tpu.memref_slice %arg4[%dma_wait3A_293, %add3A_292] : memref<4x8388608xf32, #tpu.memory_space<hbm>> -> memref<1x8192xf32, #tpu.memory_space<hbm>>
      %dma_wait3A_297 = tpu.memref_squeeze %dma_wait3A_296 : memref<1x8192xf32, #tpu.memory_space<hbm>> -> memref<8192xf32, #tpu.memory_space<hbm>>
      tpu.wait_dma2 semaphore(%arg23 : memref<!tpu.dma_semaphore, #tpu.memory_space<semaphore_mem>>) src(%arg13 : memref<8192xf32, #tpu.memory_space<vmem>>) dst(%dma_wait3A_297 : memref<8192xf32, #tpu.memory_space<hbm>>)
      %mul3A_298 = arith.constant 8192 : i32
      %mul3A_299 = arith.muli %add3A_209, %mul3A_298 : i32
      %add3A_300 = arith.addi %mul3A_2, %mul3A_299 : i32
      %dma_start3A_301 = arith.constant 2 : i32
      %dma_start3A_302 = tpu.memref_slice %arg4[%dma_start3A_301, %add3A_300] : memref<4x8388608xf32, #tpu.memory_space<hbm>> -> memref<1x8192xf32, #tpu.memory_space<hbm>>
      %dma_start3A_303 = tpu.memref_squeeze %dma_start3A_302 : memref<1x8192xf32, #tpu.memory_space<hbm>> -> memref<8192xf32, #tpu.memory_space<hbm>>
      %dma_start3A_304 = tpu.memref_slice %arg4[%dma_start3A_301, %add3A_300] : memref<4x8388608xf32, #tpu.memory_space<hbm>> -> memref<1x8192xf32, #tpu.memory_space<hbm>>
      %dma_start3A_305 = tpu.memref_squeeze %dma_start3A_304 : memref<1x8192xf32, #tpu.memory_space<hbm>> -> memref<8192xf32, #tpu.memory_space<hbm>>
      tpu.enqueue_dma source(%arg13 : memref<8192xf32, #tpu.memory_space<vmem>>) target(%dma_start3A_305 : memref<8192xf32, #tpu.memory_space<hbm>>) target_semaphore(%arg23 : memref<!tpu.dma_semaphore, #tpu.memory_space<semaphore_mem>>)
      %lt3A_306 = arith.constant 15 : i32
      %lt3A_307 = arith.cmpi slt, %scan3A_67, %lt3A_306 : i32
      %convert_element_type3A_308 = arith.extui %lt3A_307 : i1 to i32
      %cond3A_309 = arith.constant 0 : i32
      %cond3A_310 = arith.cmpi ne, %convert_element_type3A_308, %cond3A_309 : i32
      scf.if %cond3A_310 {
        %add3A_343 = arith.constant 1 : i32
        %add3A_344 = arith.addi %add3A_209, %add3A_343 : i32
        %mul3A_345 = arith.constant 8192 : i32
        %mul3A_346 = arith.muli %add3A_344, %mul3A_345 : i32
        %add3A_347 = arith.addi %mul3A_2, %mul3A_346 : i32
        %dma_start3A_348 = arith.constant 2 : i32
        %dma_start3A_349 = tpu.memref_slice %arg2[%dma_start3A_348, %add3A_347] : memref<4x8388608xf32, #tpu.memory_space<hbm>> -> memref<1x8192xf32, #tpu.memory_space<hbm>>
        %dma_start3A_350 = tpu.memref_squeeze %dma_start3A_349 : memref<1x8192xf32, #tpu.memory_space<hbm>> -> memref<8192xf32, #tpu.memory_space<hbm>>
        %dma_start3A_351 = tpu.memref_slice %arg2[%dma_start3A_348, %add3A_347] : memref<4x8388608xf32, #tpu.memory_space<hbm>> -> memref<1x8192xf32, #tpu.memory_space<hbm>>
        %dma_start3A_352 = tpu.memref_squeeze %dma_start3A_351 : memref<1x8192xf32, #tpu.memory_space<hbm>> -> memref<8192xf32, #tpu.memory_space<hbm>>
        tpu.enqueue_dma source(%dma_start3A_352 : memref<8192xf32, #tpu.memory_space<hbm>>) target(%arg9 : memref<8192xf32, #tpu.memory_space<vmem>>) target_semaphore(%arg19 : memref<!tpu.dma_semaphore, #tpu.memory_space<semaphore_mem>>)
      } else {
      }
      %mul3A_311 = arith.constant 8192 : i32
      %mul3A_312 = arith.muli %add3A_209, %mul3A_311 : i32
      %add3A_313 = arith.addi %mul3A_2, %mul3A_312 : i32
      %dma_wait3A_314 = arith.constant 3 : i32
      %dma_wait3A_315 = tpu.memref_slice %arg2[%dma_wait3A_314, %add3A_313] : memref<4x8388608xf32, #tpu.memory_space<hbm>> -> memref<1x8192xf32, #tpu.memory_space<hbm>>
      %dma_wait3A_316 = tpu.memref_squeeze %dma_wait3A_315 : memref<1x8192xf32, #tpu.memory_space<hbm>> -> memref<8192xf32, #tpu.memory_space<hbm>>
      %dma_wait3A_317 = tpu.memref_slice %arg2[%dma_wait3A_314, %add3A_313] : memref<4x8388608xf32, #tpu.memory_space<hbm>> -> memref<1x8192xf32, #tpu.memory_space<hbm>>
      %dma_wait3A_318 = tpu.memref_squeeze %dma_wait3A_317 : memref<1x8192xf32, #tpu.memory_space<hbm>> -> memref<8192xf32, #tpu.memory_space<hbm>>
      tpu.wait_dma2 semaphore(%arg20 : memref<!tpu.dma_semaphore, #tpu.memory_space<semaphore_mem>>) src(%dma_wait3A_318 : memref<8192xf32, #tpu.memory_space<hbm>>) dst(%arg10 : memref<8192xf32, #tpu.memory_space<vmem>>)
      %sub3A_319 = arith.constant 1 : i32
      %sub3A_320 = arith.subi %add3A_209, %sub3A_319 : i32
      %mul3A_321 = arith.constant 8192 : i32
      %mul3A_322 = arith.muli %sub3A_320, %mul3A_321 : i32
      %add3A_323 = arith.addi %mul3A_2, %mul3A_322 : i32
      %dma_wait3A_324 = arith.constant 3 : i32
      %dma_wait3A_325 = tpu.memref_slice %arg4[%dma_wait3A_324, %add3A_323] : memref<4x8388608xf32, #tpu.memory_space<hbm>> -> memref<1x8192xf32, #tpu.memory_space<hbm>>
      %dma_wait3A_326 = tpu.memref_squeeze %dma_wait3A_325 : memref<1x8192xf32, #tpu.memory_space<hbm>> -> memref<8192xf32, #tpu.memory_space<hbm>>
      %dma_wait3A_327 = tpu.memref_slice %arg4[%dma_wait3A_324, %add3A_323] : memref<4x8388608xf32, #tpu.memory_space<hbm>> -> memref<1x8192xf32, #tpu.memory_space<hbm>>
      %dma_wait3A_328 = tpu.memref_squeeze %dma_wait3A_327 : memref<1x8192xf32, #tpu.memory_space<hbm>> -> memref<8192xf32, #tpu.memory_space<hbm>>
      tpu.wait_dma2 semaphore(%arg24 : memref<!tpu.dma_semaphore, #tpu.memory_space<semaphore_mem>>) src(%arg14 : memref<8192xf32, #tpu.memory_space<vmem>>) dst(%dma_wait3A_328 : memref<8192xf32, #tpu.memory_space<hbm>>)
      %mul3A_329 = arith.constant 8192 : i32
      %mul3A_330 = arith.muli %add3A_209, %mul3A_329 : i32
      %add3A_331 = arith.addi %mul3A_2, %mul3A_330 : i32
      %dma_start3A_332 = arith.constant 3 : i32
      %dma_start3A_333 = tpu.memref_slice %arg4[%dma_start3A_332, %add3A_331] : memref<4x8388608xf32, #tpu.memory_space<hbm>> -> memref<1x8192xf32, #tpu.memory_space<hbm>>
      %dma_start3A_334 = tpu.memref_squeeze %dma_start3A_333 : memref<1x8192xf32, #tpu.memory_space<hbm>> -> memref<8192xf32, #tpu.memory_space<hbm>>
      %dma_start3A_335 = tpu.memref_slice %arg4[%dma_start3A_332, %add3A_331] : memref<4x8388608xf32, #tpu.memory_space<hbm>> -> memref<1x8192xf32, #tpu.memory_space<hbm>>
      %dma_start3A_336 = tpu.memref_squeeze %dma_start3A_335 : memref<1x8192xf32, #tpu.memory_space<hbm>> -> memref<8192xf32, #tpu.memory_space<hbm>>
      tpu.enqueue_dma source(%arg14 : memref<8192xf32, #tpu.memory_space<vmem>>) target(%dma_start3A_336 : memref<8192xf32, #tpu.memory_space<hbm>>) target_semaphore(%arg24 : memref<!tpu.dma_semaphore, #tpu.memory_space<semaphore_mem>>)
      %lt3A_337 = arith.constant 15 : i32
      %lt3A_338 = arith.cmpi slt, %scan3A_67, %lt3A_337 : i32
      %convert_element_type3A_339 = arith.extui %lt3A_338 : i1 to i32
      %cond3A_340 = arith.constant 0 : i32
      %cond3A_341 = arith.cmpi ne, %convert_element_type3A_339, %cond3A_340 : i32
      scf.if %cond3A_341 {
        %add3A_343 = arith.constant 1 : i32
        %add3A_344 = arith.addi %add3A_209, %add3A_343 : i32
        %mul3A_345 = arith.constant 8192 : i32
        %mul3A_346 = arith.muli %add3A_344, %mul3A_345 : i32
        %add3A_347 = arith.addi %mul3A_2, %mul3A_346 : i32
        %dma_start3A_348 = arith.constant 3 : i32
        %dma_start3A_349 = tpu.memref_slice %arg2[%dma_start3A_348, %add3A_347] : memref<4x8388608xf32, #tpu.memory_space<hbm>> -> memref<1x8192xf32, #tpu.memory_space<hbm>>
        %dma_start3A_350 = tpu.memref_squeeze %dma_start3A_349 : memref<1x8192xf32, #tpu.memory_space<hbm>> -> memref<8192xf32, #tpu.memory_space<hbm>>
        %dma_start3A_351 = tpu.memref_slice %arg2[%dma_start3A_348, %add3A_347] : memref<4x8388608xf32, #tpu.memory_space<hbm>> -> memref<1x8192xf32, #tpu.memory_space<hbm>>
        %dma_start3A_352 = tpu.memref_squeeze %dma_start3A_351 : memref<1x8192xf32, #tpu.memory_space<hbm>> -> memref<8192xf32, #tpu.memory_space<hbm>>
        tpu.enqueue_dma source(%dma_start3A_352 : memref<8192xf32, #tpu.memory_space<hbm>>) target(%arg10 : memref<8192xf32, #tpu.memory_space<vmem>>) target_semaphore(%arg20 : memref<!tpu.dma_semaphore, #tpu.memory_space<semaphore_mem>>)
      } else {
      }
      %scan3A_342 = arith.constant 0 : i32
      scf.yield %scan3A_342 : i32
    }
    %scan3A_39 = arith.constant 16 : i32
    %add3A_40 = arith.constant 253952 : i32
    %add3A_41 = arith.addi %mul3A_2, %add3A_40 : i32
    %dma_wait3A = arith.constant 0 : i32
    %dma_wait3A_42 = tpu.memref_slice %arg4[%dma_wait3A, %add3A_41] : memref<4x8388608xf32, #tpu.memory_space<hbm>> -> memref<1x8192xf32, #tpu.memory_space<hbm>>
    %dma_wait3A_43 = tpu.memref_squeeze %dma_wait3A_42 : memref<1x8192xf32, #tpu.memory_space<hbm>> -> memref<8192xf32, #tpu.memory_space<hbm>>
    %dma_wait3A_44 = tpu.memref_slice %arg4[%dma_wait3A, %add3A_41] : memref<4x8388608xf32, #tpu.memory_space<hbm>> -> memref<1x8192xf32, #tpu.memory_space<hbm>>
    %dma_wait3A_45 = tpu.memref_squeeze %dma_wait3A_44 : memref<1x8192xf32, #tpu.memory_space<hbm>> -> memref<8192xf32, #tpu.memory_space<hbm>>
    tpu.wait_dma2 semaphore(%arg21 : memref<!tpu.dma_semaphore, #tpu.memory_space<semaphore_mem>>) src(%arg11 : memref<8192xf32, #tpu.memory_space<vmem>>) dst(%dma_wait3A_45 : memref<8192xf32, #tpu.memory_space<hbm>>)
    %add3A_46 = arith.constant 253952 : i32
    %add3A_47 = arith.addi %mul3A_2, %add3A_46 : i32
    %dma_wait3A_48 = arith.constant 1 : i32
    %dma_wait3A_49 = tpu.memref_slice %arg4[%dma_wait3A_48, %add3A_47] : memref<4x8388608xf32, #tpu.memory_space<hbm>> -> memref<1x8192xf32, #tpu.memory_space<hbm>>
    %dma_wait3A_50 = tpu.memref_squeeze %dma_wait3A_49 : memref<1x8192xf32, #tpu.memory_space<hbm>> -> memref<8192xf32, #tpu.memory_space<hbm>>
    %dma_wait3A_51 = tpu.memref_slice %arg4[%dma_wait3A_48, %add3A_47] : memref<4x8388608xf32, #tpu.memory_space<hbm>> -> memref<1x8192xf32, #tpu.memory_space<hbm>>
    %dma_wait3A_52 = tpu.memref_squeeze %dma_wait3A_51 : memref<1x8192xf32, #tpu.memory_space<hbm>> -> memref<8192xf32, #tpu.memory_space<hbm>>
    tpu.wait_dma2 semaphore(%arg22 : memref<!tpu.dma_semaphore, #tpu.memory_space<semaphore_mem>>) src(%arg12 : memref<8192xf32, #tpu.memory_space<vmem>>) dst(%dma_wait3A_52 : memref<8192xf32, #tpu.memory_space<hbm>>)
    %add3A_53 = arith.constant 253952 : i32
    %add3A_54 = arith.addi %mul3A_2, %add3A_53 : i32
    %dma_wait3A_55 = arith.constant 2 : i32
    %dma_wait3A_56 = tpu.memref_slice %arg4[%dma_wait3A_55, %add3A_54] : memref<4x8388608xf32, #tpu.memory_space<hbm>> -> memref<1x8192xf32, #tpu.memory_space<hbm>>
    %dma_wait3A_57 = tpu.memref_squeeze %dma_wait3A_56 : memref<1x8192xf32, #tpu.memory_space<hbm>> -> memref<8192xf32, #tpu.memory_space<hbm>>
    %dma_wait3A_58 = tpu.memref_slice %arg4[%dma_wait3A_55, %add3A_54] : memref<4x8388608xf32, #tpu.memory_space<hbm>> -> memref<1x8192xf32, #tpu.memory_space<hbm>>
    %dma_wait3A_59 = tpu.memref_squeeze %dma_wait3A_58 : memref<1x8192xf32, #tpu.memory_space<hbm>> -> memref<8192xf32, #tpu.memory_space<hbm>>
    tpu.wait_dma2 semaphore(%arg23 : memref<!tpu.dma_semaphore, #tpu.memory_space<semaphore_mem>>) src(%arg13 : memref<8192xf32, #tpu.memory_space<vmem>>) dst(%dma_wait3A_59 : memref<8192xf32, #tpu.memory_space<hbm>>)
    %add3A_60 = arith.constant 253952 : i32
    %add3A_61 = arith.addi %mul3A_2, %add3A_60 : i32
    %dma_wait3A_62 = arith.constant 3 : i32
    %dma_wait3A_63 = tpu.memref_slice %arg4[%dma_wait3A_62, %add3A_61] : memref<4x8388608xf32, #tpu.memory_space<hbm>> -> memref<1x8192xf32, #tpu.memory_space<hbm>>
    %dma_wait3A_64 = tpu.memref_squeeze %dma_wait3A_63 : memref<1x8192xf32, #tpu.memory_space<hbm>> -> memref<8192xf32, #tpu.memory_space<hbm>>
    %dma_wait3A_65 = tpu.memref_slice %arg4[%dma_wait3A_62, %add3A_61] : memref<4x8388608xf32, #tpu.memory_space<hbm>> -> memref<1x8192xf32, #tpu.memory_space<hbm>>
    %dma_wait3A_66 = tpu.memref_squeeze %dma_wait3A_65 : memref<1x8192xf32, #tpu.memory_space<hbm>> -> memref<8192xf32, #tpu.memory_space<hbm>>
    tpu.wait_dma2 semaphore(%arg24 : memref<!tpu.dma_semaphore, #tpu.memory_space<semaphore_mem>>) src(%arg14 : memref<8192xf32, #tpu.memory_space<vmem>>) dst(%dma_wait3A_66 : memref<8192xf32, #tpu.memory_space<hbm>>)
    return
  }
}

</mosaic_0001>

<sc_bundles>
// kernel: kernel.3.cloned.1.call-start
scs
__scs_entry_jumppad:
0x0: {  	(pc) =	sbr.rel $0x88, $3  }
0x1: {  	(tag) =	ssettag $0x0;
	lr =	simm.s32 $0x1  }
0x2: {  	[smem:$0x3F9F] =	sst lr;
	_ =	strace $0xD0000000  }
0x3: {  	_ = 	snop  }
0x4: {  	_ = 	snop  }
0x5: {  	_ = 	snop  }
0x6: {  	_ = 	snop  }
0x7: {  	_ = 	snop  }
__scs_overlays_trampoline_lowered:
0x8: {  	[smem:$0x3FAE] =	sst s0  }
0x9: {  	[smem:$0x3FAF] =	sst s1  }
0xa: {  	[smem:$0x3FB0] =	sst s2  }
0xb: {  	[smem:$0x3FB1] =	sst s3  }
0xc: {  	[smem:$0x3FB2] =	sst s4  }
0xd: {  	[smem:$0x3FB3] =	sst s5  }
0xe: {  	[smem:$0x3FB4] =	sst s6  }
0xf: {  	[smem:$0x3FB5] =	sst s7  }
0x10: {  	[smem:$0x3FB6] =	sst s8  }
0x11: {  	[smem:$0x3FB7] =	sst s9;
	s0 =	simm.s32 @!p0 $0x0  }
0x12: {  	s1 =	sld [smem:$0x3F9D];
	s0 =	simm.s32 @p0 $0x1  }
0x13: {  	[smem:$0x3FB8] =	sst s0;
	s0 =	simm.s32 @!p1 $0x0  }
0x14: {  	s2 =	sld [smem:$0x3F9C];
	s0 =	simm.s32 @p1 $0x1  }
0x15: {  	[smem:$0x3FB9] =	sst s0;
	s0 =	simm.s32 @!p2 $0x0  }
0x16: {  	s3 =	sld [smem:$0x3FDB];
	s0 =	simm.s32 @p2 $0x1  }
0x17: {  	s4 =	simm.s32 $0x1BF5;
	[smem:$0x3FBB] =	sst s0  }
0x18: {  	s0 =	sld [smem:$0x3F9E];
	_ =	swait.ge [sflag:s4], $0x0  }
0x19: {  	s7 =	sld [smem:$0x3F9F]  }
0x1a: {  	s8 =	sadd.s32 $0xFFFFE003, lr  }
0x1b: {  	s9 =	sadd.s32 $0xFFFFFEF7, lr;
	s5 =	simm.s32 $0xFFFFFFFF;
	p2 =	slt.u32 s8, $0xFFFFF086  }
0x1c: {  	p1 =	slt.u32 s9, $0xF7A;
	s5 =	simm.s32 @!p2 $0x0  }
0x1d: {  	s5 =	simm.s32 @p1 $0x1;
	p0 =	seq.s32 s7, s2  }
0x1e: {  	s7 =	smul.u32 @!p0 $0xF7A, s2;
	p2 =	seq.s32 @!p0 s5, $0x0  }
0x1f: {  	s9 =	smul.u32 $0xF7A, s1;
	s8 =	simm.s32 @!p0 $0x1BF5;
	p2 =	por !p2, p0  }
0x20: {  	[sflag:s8] =	ssyncset.s32 @!p0 $0xFFFFF086;
	s6 =	sadd.s32 @!p0 s3, s7;
	s7 =	simm.s32 @!p0 $0x108  }
0x21: {  	s3 =	sadd.s32 s3, s9;
	s6 =	sadd.s32 @!p0 $0x88, s6;
	s7 =	simm.s32 @p2 $0x1082  }
0x22: {  	[simem:s7], [sflag:s8] =	dma.local @!p0 [hbm:s6], $0xF7A  }
0x23: {  	s9 =	sor.u32 $0xD0000000, s2;
	s6 =	simm.s32 $0x108;
	_ =	swait.ge @!p0 [sflag:s8], $0x0  }
0x24: {  	s3 =	sadd.s32 $0x88, s3;
	s6 =	simm.s32 @!p1 $0x1082;
	[sflag:s4] =	ssyncset.s32 $0xFFFFF086  }
0x25: {  	[simem:s6], [sflag:s4] =	dma.local [hbm:s3], $0xF7A  }
0x26: {  	[smem:$0x3F9F] =	sst s1;
	(tag) =	ssettag s2;
	_ =	strace s9  }
0x27: {  	s1 =	sld [smem:$0x3FAF]  }
0x28: {  	s2 =	sld [smem:$0x3FB0]  }
0x29: {  	s4 =	sld [smem:$0x3FB2]  }
0x2a: {  	p0 =	seq.s32 s5, $0x0;
	s5 =	sld [smem:$0x3FB3]  }
0x2b: {  	s6 =	sld [smem:$0x3FB4]  }
0x2c: {  	s7 =	sld [smem:$0x3FB5]  }
0x2d: {  	s3 =	simm.s32 $0x108;
	s8 =	sld [smem:$0x3FB6]  }
0x2e: {  	s3 =	simm.s32 @!p0 $0x1082;
	s9 =	sld [smem:$0x3FB7]  }
0x2f: {  	lr =	sadd.s32 s0, s3;
	s0 =	sld [smem:$0x3FAE]  }
0x30: {  	s3 =	sld [smem:$0x3FB1]  }
0x31: {  	[smem:$0x3FBA] =	sst s10  }
0x32: {  	s10 =	sld [smem:$0x3FB8];
	_ =	sdelay $0x3  }
0x33: {  	p0 =	seq.s32 s10, $0x1;
	s10 =	sld [smem:$0x3FBA];
	_ =	sdelay $0x3  }
0x34: {  	[smem:$0x3FBA] =	sst s10  }
0x35: {  	s10 =	sld [smem:$0x3FB9];
	_ =	sdelay $0x3  }
0x36: {  	p1 =	seq.s32 s10, $0x1;
	s10 =	sld [smem:$0x3FBA];
	_ =	sdelay $0x3  }
0x37: {  	[smem:$0x3FBA] =	sst s10  }
0x38: {  	s10 =	sld [smem:$0x3FBB]  }
0x39: {  	_ = 	snop;
	(pc) =	sbr.ind lr, $3  }
0x3a: {  	_ = 	snop  }
0x3b: {  	_ = 	snop  }
0x3c: {  	p2 =	seq.s32 s10, $0x1;
	s10 =	sld [smem:$0x3FBA]  }
0x3d: {  	_ =	shalt  }
0x3e: {  	_ =	shalt  }
0x3f: {  	_ =	shalt  }
0x40: {  	_ =	shalt  }
0x41: {  	_ =	shalt  }
0x42: {  	_ =	shalt  }
0x43: {  	_ =	shalt  }
0x44: {  	_ =	shalt  }
0x45: {  	_ =	shalt  }
0x46: {  	_ =	shalt  }
0x47: {  	_ =	shalt  }
0x48: {  	_ =	shalt  }
0x49: {  	_ =	shalt  }
0x4a: {  	_ =	shalt  }
0x4b: {  	_ =	shalt  }
0x4c: {  	_ =	shalt  }
0x4d: {  	_ =	shalt  }
0x4e: {  	_ =	shalt  }
0x4f: {  	_ =	shalt  }
0x50: {  	_ =	shalt  }
0x51: {  	_ =	shalt  }
0x52: {  	_ =	shalt  }
0x53: {  	_ =	shalt  }
0x54: {  	_ =	shalt  }
0x55: {  	_ =	shalt  }
0x56: {  	_ =	shalt  }
0x57: {  	_ =	shalt  }
0x58: {  	_ =	shalt  }
0x59: {  	_ =	shalt  }
0x5a: {  	_ =	shalt  }
0x5b: {  	_ =	shalt  }
0x5c: {  	_ =	shalt  }
0x5d: {  	_ =	shalt  }
0x5e: {  	_ =	shalt  }
0x5f: {  	_ =	shalt  }
0x60: {  	_ =	shalt  }
0x61: {  	_ =	shalt  }
0x62: {  	_ =	shalt  }
0x63: {  	_ =	shalt  }
0x64: {  	_ =	shalt  }
0x65: {  	_ =	shalt  }
0x66: {  	_ =	shalt  }
0x67: {  	_ =	shalt  }
0x68: {  	_ =	shalt  }
0x69: {  	_ =	shalt  }
0x6a: {  	_ =	shalt  }
0x6b: {  	_ =	shalt  }
0x6c: {  	_ =	shalt  }
0x6d: {  	_ =	shalt  }
0x6e: {  	_ =	shalt  }
0x6f: {  	_ =	shalt  }
0x70: {  	_ =	shalt  }
0x71: {  	_ =	shalt  }
0x72: {  	_ =	shalt  }
0x73: {  	_ =	shalt  }
0x74: {  	_ =	shalt  }
0x75: {  	_ =	shalt  }
0x76: {  	_ =	shalt  }
0x77: {  	_ =	shalt  }
0x78: {  	_ =	shalt  }
0x79: {  	_ =	shalt  }
0x7a: {  	_ =	shalt  }
0x7b: {  	_ =	shalt  }
0x7c: {  	_ =	shalt  }
0x7d: {  	_ =	shalt  }
0x7e: {  	_ =	shalt  }
0x7f: {  	_ =	shalt  }
0x80: {  	_ =	shalt  }
0x81: {  	_ =	shalt  }
0x82: {  	_ =	shalt  }
0x83: {  	_ =	shalt  }
0x84: {  	_ =	shalt  }
0x85: {  	_ =	shalt  }
0x86: {  	_ =	shalt  }
0x87: {  	_ =	shalt  }
.Lfunc_end0:
.L_simem_size_0:
called_computation.3_lowered:
.L_overlay_start_0:
0x88: {  	s2 =	sld [smem:$0x3FD9]  }
0x89: {  	s3 =	sld [smem:$0x3FFE];
	_ =	sdelay $0x1  }
0x8a: {  	s1 =	srdreg.scid  }
0x8b: {  	s0 =	sand.u32 $0x1, s1  }
0x8c: {  	s17 =	sshll.u32 s0, $0xA;
	s2 =	sadd.s32 s3, s2  }
0x8d: {  	s2 =	sadd.s32 s2, s17  }
0x8e: {  	[smem:$0x3FC6] =	sst s2  }
0x8f: {  	_ = 	snop  }
0x90: {  	s2 =	sld [smem:$0x3FD0];
	(tm) =	ssettm $0x1  }
0x91: {  	s18 =	sld [smem:$0x3FFB];
	_ =	sdelay $0x3  }
0x92: {  	_ =	strace s18  }
0x93: {  	s3 =	sld [smem:$0x3FFC];
	_ =	sdelay $0x3  }
0x94: {  	_ =	strace s3  }
0x95: {  	s3 =	sld [smem:$0x3FFD];
	_ =	sdelay $0x3  }
0x96: {  	_ =	strace s3  }
0x97: {  	_ =	strace $0x8FFFFFFF  }
0x98: {  	s19 =	sld [smem:$0x3FDB];
	_ =	sdelay $0x1  }
0x99: {  	s4 =	simm.s32 $_scs_section_size  }
0x9a: {  	s5 =	simm.s32 $_size__tile_overlayer_lowered;
	s6 =	simm.s32 $_tile_overlayer_lowered  }
0x9b: {  	s22 =	simm.s32 $0x1BFF;
	s21 =	sshll.u32 s6, $0x1;
	s3 =	sadd.s32 s4, s19  }
0x9c: {  	s7 =	simm.s32 $0x0;
	s20 =	sshll.u32 s5, $0x1;
	s5 =	sadd.s32 s21, s3  }
0x9d: {  	[timem:s7], [sflag:s22] =	dma.local [hbm:s5], s20  }
0x9e: {  	_ =	swait.ge [sflag:s22], s20  }
0x9f: {  	s4 =	ssub.s32 $0x0, s20;
	[sflag:s22] =	ssyncset.done $0x0  }
0xa0: {  	[sflag:s22] =	ssyncadd.s32 s4;
	_ =	sdelay $0x1  }
0xa1: {  	s23 =	simm.s32 $0x1B8B  }
0xa2: {  	_ =	swait.ge [sflag:s23], $0x1  }
0xa3: {  	[sflag:s23] =	ssyncset.done $0x0  }
0xa4: {  	s25 =	simm.s32 $0x1B8E;
	s24 =	sld [smem:$0x3FFE];
	[sflag:s23] =	ssyncadd.s32 $0xFFFFFFFF  }
0xa5: {  	s26 =	simm.s32 $execute0_lowered;
	[smem:$0x3FD2] =	sst s25  }
0xa6: {  	s5 =	sshll.u32 s26, $0x1;
	_ =	strace $0x8000004C;
	[dreg:$0x1] =	wrdreg $0xFFFFFFFF  }
0xa7: {  	s28 =	simm.s32 $_size_execute0_lowered;
	s3 =	sadd.s32 s3, s5;
	[dreg:$0x0] =	wrdreg $0x0  }
0xa8: {  	s5 =	sshll.u32 s28, $0x1;
	[dreg:$0x2] =	wrdreg s3  }
0xa9: {  	[dreg:$0x3] =	wrdreg s5  }
0xaa: {  	[dreg:$0x4] =	wrdreg $0xC0  }
0xab: {  	_ =	task [dreg:s7], $0x5FFFF  }
0xac: {  	[dreg:$0x1] =	wrdreg $0xFFFFFFFF  }
0xad: {  	[dreg:$0x0] =	wrdreg $0x60  }
0xae: {  	[dreg:$0x2] =	wrdreg s2  }
0xaf: {  	[dreg:$0x3] =	wrdreg s24  }
0xb0: {  	[dreg:$0x4] =	wrdreg $0x9  }
0xb1: {  	_ =	task.clear_ibuf [dreg:s7], $0x5FFFF;
	_ =	strace $0x9000004C  }
0xb2: {  	s29 =	simm.s32 $0x9;
	_ =	strace $0x8000004E  }
0xb3: {  	_ =	swait.ge [sflag:s29], $0x1  }
0xb4: {  	[sflag:s29] =	ssyncadd.s32 $0xFFFFFFFF  }
0xb5: {  	_ =	strace $0x9000004E  }
0xb6: {  	_ =	sfence  }
0xb7: {  	s30 =	sld [smem:$0x0];
	_ =	sdelay $0x2  }
0xb8: {  	s31 =	sshll.u32 s1, $0xD;
	s1 =	sshrl.u32 s1, $0x2  }
0xb9: {  	s3 =	sand.u32 $0x4000, s31;
	s1 =	sadd.s32 s1, s30  }
0xba: {  	s0 =	sor.u32 s3, s0;
	s1 =	sshll.u32 s1, $0x11  }
0xbb: {  	s0 =	sor.u32 s1, s0  }
0xbc: {  	s0 =	sadd.s32 $0x8F2B, s0  }
0xbd: {  	[sflag:s0] =	ssyncadd.remote.s32 $0x1  }
0xbe: {  	_ =	sfence.sel $0xFFFF  }
0xbf: {  	[dreg:$0x0] =	wrdreg $0xFFFFFFFF;
	(pc) =	sbr.abs _section_cstart, $3  }
0xc0: {  	[dreg:$0x1] =	wrdreg $0xFFFFFFFF  }
0xc1: {  	_ =	task.clear_ibuf [dreg:s7], $0x2FFFF;
	_ =	strace $0x9FFFFFFF  }
0xc2: {  	(tm) =	ssettm $0x7FFFFFFF  }
0xc3: {  	_ =	shalt  }
tec
execute0_lowered:
.L_overlay_start_1:
0x0: {  	(tag) =	ssettag $0x1  }
0x1: {  	s0 =	rddreg [dreg:$0x0]  }
0x2: {  	s1 =	rddreg [dreg:$0x1]  }
0x3: {  	s2 =	simm.s32 $0x0;
	s3 =	srdreg.scid;
	s12 =	stileid.u32  }
0x4: {  	s28 =	simm.s32 $0x5;
	s29 =	simm.s32 $0x10000;
	s30 =	simm.s32 $0x6  }
0x5: {  	s31 =	simm.s32 $0x12000;
	[smem:$0x7FF] =	sst s2;
	s3 =	sand.u32 $0x1, s3  }
0x6: {  	s4 =	sadd.s32 $0x1000, s1;
	s5 =	sshll.u32 s12, $0x13;
	s1 =	sadd.s32 $0x101000, s1  }
0x7: {  	s17 =	sshll.u32 s12, $0x15;
	_ =	strace $0x8000004D;
	s6 =	sshll.u32 s3, $0x12  }
0x8: {  	s7 =	ssub.s32 $0x2, s3;
	s3 =	sshll.u32 s3, $0x14;
	s5 =	sor.u32 s6, s5  }
0x9: {  	s13 =	sshrl.u32 s7, $0x1;
	s3 =	sor.u32 s3, s17;
	s8 =	sshrl.u32 s5, $0x3  }
0xa: {  	s9 =	sshrl.u32 s5, $0x1;
	s6 =	ssub.s32 s7, s13;
	s19 =	sor.u32 $0x2000, s5  }
0xb: {  	s3 =	sshrl.u32 s3, $0x3;
	s24 =	sor.u32 $0x4000, s5;
	s5 =	simm.s32 $0x9  }
0xc: {  	s14 =	sadd.s32 s4, s8;
	s15 =	sadd.s32 s0, s9;
	s21 =	sshrl.u32 s19, $0x1  }
0xd: {  	s22 =	smax.u32 s6, $0x1;
	s9 =	sadd.s32 s3, s1;
	s23 =	sshrl.u32 s19, $0x3  }
0xe: {  	s25 =	sshrl.u32 s24, $0x1;
	s3 =	sshrl.u32 s24, $0x3;
	s19 =	simm.s32 $0x8000  }
0xf: {  	s24 =	simm.s32 $0xC000;
	s6 =	simm.s32 $0xA;
	[dreg:$0x3] =	wrdreg s14  }
0x10: {  	s16 =	sadd.s32 $0x10, s15;
	s18 =	sadd.s32 $0x20, s15;
	[dreg:$0x4] =	wrdreg s15  }
0x11: {  	s20 =	sadd.s32 $0x30, s15;
	[dreg:$0x8] =	wrdreg s22;
	s10 =	sadd.s32 s21, s0  }
0x12: {  	s11 =	sadd.s32 s21, s1;
	s1 =	sadd.s32 s23, s4;
	s13 =	sadd.s32 s25, s0  }
0x13: {  	s26 =	sadd.s32 s3, s4;
	s15 =	simm.s32 $0x80;
	[dreg:$0x5] =	wrdreg s16  }
.Ltmp0:
0x14: {  	s22 =	simm.s32 $0x1;
	[dreg:$0x6] =	wrdreg s18;
	(pc) =	sbr.rel .LBB2_1-.Ltmp0, $4  }
0x15: {  	s23 =	simm.s32 $0x3;
	s25 =	simm.s32 $0x4;
	[dreg:$0x7] =	wrdreg s20  }
0x16: {  	s0 =	simm.s32 $0x2;
	s3 =	simm.s32 $0x8;
	[dreg:$0x9] =	wrdreg s1  }
0x17: {  	s4 =	simm.s32 $0x0;
	[dreg:$0xa] =	wrdreg s26;
	s16 =	simm.s32 $0x200  }
0x18: {  	s20 =	simm.s32 $0xA000;
	s26 =	simm.s32 $0xE000;
	s1 =	simm.s32 $0x7  }
.LBB2_4:
0x19: {  	_ =	swait.ge [sflag:s1], $0x2000  }
0x1a: {  	[sflag:s1] =	ssyncset.done $0x0  }
0x1b: {  	[sflag:s1] =	ssyncadd.s32 $0xFFFFE000  }
0x1c: {  	_ =	swait.ge [sflag:s3], $0x2000  }
0x1d: {  	[sflag:s3] =	ssyncset.done $0x0  }
0x1e: {  	[sflag:s3] =	ssyncadd.s32 $0xFFFFE000  }
0x1f: {  	_ =	swait.ge [sflag:s5], $0x2000  }
0x20: {  	[sflag:s5] =	ssyncset.done $0x0  }
0x21: {  	[sflag:s5] =	ssyncadd.s32 $0xFFFFE000  }
0x22: {  	_ =	swait.ge [sflag:s6], $0x2000  }
0x23: {  	s4 =	rddreg [dreg:$0xb]  }
0x24: {  	s2 =	rddreg [dreg:$0x8];
	s4 =	sadd.s32 $0x1, s4  }
0x25: {  	p0 =	sne.s32 s4, s2  }
.Ltmp1:
0x26: {  	_ = 	snop;
	(pc) =	sbr.rel @!p0 .LBB2_5-.Ltmp1, $3  }
0x27: {  	_ =	sdelay $0x1  }
0x28: {  	[sflag:s6] =	ssyncset.done $0x0  }
0x29: {  	[sflag:s6] =	ssyncadd.s32 $0xFFFFE000  }
.LBB2_1:
0x2a: {  	[dreg:$0xb] =	wrdreg s4  }
0x2b: {  	s7 =	rddreg [dreg:$0x3]  }
0x2c: {  	s8 =	rddreg [dreg:$0x4]  }
0x2d: {  	s2 =	simm.s32 $0x0;
	s14 =	rddreg [dreg:$0x5]  }
0x2e: {  	[tilespmem:s2], [sflag:$0x1] =	stream.linear.gather [hbm4b:s7+s2], $0x2000, $0x38;
	[tilespmem:$0x14000] =	vst v63  }
0x2f: {  	s12 =	simm.s32 $0x4000;
	s18 =	rddreg [dreg:$0x6]  }
0x30: {  	[tilespmem:s12], [sflag:$0x3] =	stream.strided.gather [hbm4b:s8+s15], $0x2000, s16, s15, $0x38;
	[tilespmem:$0x14000] =	vst v63  }
0x31: {  	s17 =	simm.s32 $0x6000;
	s21 =	rddreg [dreg:$0x7]  }
0x32: {  	[tilespmem:s17], [sflag:$0x4] =	stream.strided.gather [hbm4b:s14+s15], $0x2000, s16, s15, $0x38;
	[tilespmem:$0x14000] =	vst v63  }
0x33: {  	s12 =	rddreg [dreg:$0x9]  }
0x34: {  	[tilespmem:s19], [sflag:$0x5] =	stream.strided.gather [hbm4b:s18+s15], $0x2000, s16, s15, $0x38;
	[tilespmem:$0x14000] =	vst v63  }
0x35: {  	s4 =	simm.s32 $0x0;
	s14 =	rddreg [dreg:$0xa]  }
0x36: {  	[tilespmem:s20], [sflag:$0x6] =	stream.strided.gather [hbm4b:s21+s15], $0x2000, s16, s15, $0x38;
	[tilespmem:$0x14000] =	vst v63  }
.LBB2_2:
0x37: {  	s2 =	simm.s32 $0x0;
	s7 =	simm.s32 $0x2000  }
0x38: {  	[tilespmem:s7], [sflag:$0x2] =	stream.linear.gather [hbm4b:s12+s2], $0x2000, $0x38;
	[tilespmem:$0x14000] =	vst v63  }
0x39: {  	_ =	swait.ge [sflag:s22], $0x2000  }
0x3a: {  	[sflag:s22] =	ssyncset.done $0x0  }
0x3b: {  	[sflag:s22] =	ssyncadd.s32 $0xFFFFE000  }
0x3c: {  	_ =	swait.ge [sflag:s23], $0x2000  }
0x3d: {  	p0 =	seq.s32 s4, $0x0;
	[sflag:s23] =	ssyncset.done $0x0  }
0x3e: {  	s8 =	simm.s32 @!p0 $0x7;
	[sflag:s23] =	ssyncadd.s32 $0xFFFFE000  }
0x3f: {  	_ =	swait.ge @!p0 [sflag:s8], $0x2000  }
0x40: {  	[sflag:s8] =	ssyncset.done @!p0 $0x0  }
0x41: {  	[sflag:s8] =	ssyncadd.s32 @!p0 $0xFFFFE000;
	s8 =	sadd.s32 s4, s9  }
0x42: {  	[hbm4b:s8+s15] =	stream.strided.scatter [tilespmem:s24], [sflag:$0x7], $0x2000, s16, s15, $0x38;
	[tilespmem:$0x14000] =	vst v63  }
0x43: {  	s17 =	simm.s32 $0x4000;
	s7 =	sadd.s32 s4, s10  }
0x44: {  	[tilespmem:s17], [sflag:$0x3] =	stream.strided.gather [hbm4b:s7+s15], $0x2000, s16, s15, $0x38;
	[tilespmem:$0x14000] =	vst v63  }
0x45: {  	_ =	swait.ge [sflag:s25], $0x2000  }
0x46: {  	[sflag:s25] =	ssyncset.done $0x0  }
0x47: {  	s2 =	simm.s32 @!p0 $0x8;
	[sflag:s25] =	ssyncadd.s32 $0xFFFFE000  }
0x48: {  	_ =	swait.ge @!p0 [sflag:s2], $0x2000  }
0x49: {  	[sflag:s2] =	ssyncset.done @!p0 $0x0  }
0x4a: {  	s18 =	sadd.s32 $0x10, s8;
	[sflag:s2] =	ssyncadd.s32 @!p0 $0xFFFFE000  }
0x4b: {  	[hbm4b:s18+s15] =	stream.strided.scatter [tilespmem:s26], [sflag:$0x8], $0x2000, s16, s15, $0x38;
	[tilespmem:$0x14000] =	vst v63  }
0x4c: {  	s21 =	sadd.s32 $0x10, s7;
	s17 =	simm.s32 $0x6000  }
0x4d: {  	[tilespmem:s17], [sflag:$0x4] =	stream.strided.gather [hbm4b:s21+s15], $0x2000, s16, s15, $0x38;
	[tilespmem:$0x14000] =	vst v63  }
0x4e: {  	_ =	swait.ge [sflag:s28], $0x2000  }
0x4f: {  	[sflag:s28] =	ssyncset.done $0x0  }
0x50: {  	s2 =	simm.s32 @!p0 $0x9;
	[sflag:s28] =	ssyncadd.s32 $0xFFFFE000  }
0x51: {  	_ =	swait.ge @!p0 [sflag:s2], $0x2000  }
0x52: {  	[sflag:s2] =	ssyncset.done @!p0 $0x0  }
0x53: {  	s18 =	sadd.s32 $0x20, s8;
	[sflag:s2] =	ssyncadd.s32 @!p0 $0xFFFFE000  }
0x54: {  	[hbm4b:s18+s15] =	stream.strided.scatter [tilespmem:s29], [sflag:$0x9], $0x2000, s16, s15, $0x38;
	[tilespmem:$0x14000] =	vst v63  }
0x55: {  	s21 =	sadd.s32 $0x20, s7  }
0x56: {  	[tilespmem:s19], [sflag:$0x5] =	stream.strided.gather [hbm4b:s21+s15], $0x2000, s16, s15, $0x38;
	[tilespmem:$0x14000] =	vst v63  }
0x57: {  	_ =	swait.ge [sflag:s30], $0x2000  }
0x58: {  	[sflag:s30] =	ssyncset.done $0x0  }
0x59: {  	s2 =	simm.s32 @!p0 $0xA;
	[sflag:s30] =	ssyncadd.s32 $0xFFFFE000  }
0x5a: {  	_ =	swait.ge @!p0 [sflag:s2], $0x2000  }
0x5b: {  	[sflag:s2] =	ssyncset.done @!p0 $0x0  }
0x5c: {  	s8 =	sadd.s32 $0x30, s8;
	[sflag:s2] =	ssyncadd.s32 @!p0 $0xFFFFE000  }
0x5d: {  	[hbm4b:s8+s15] =	stream.strided.scatter [tilespmem:s31], [sflag:$0xA], $0x2000, s16, s15, $0x38;
	[tilespmem:$0x14000] =	vst v63  }
0x5e: {  	s17 =	sadd.s32 $0x30, s7;
	p0 =	seq.s32 s4, $0x1E000  }
0x5f: {  	[tilespmem:s20], [sflag:$0x6] =	stream.strided.gather [hbm4b:s17+s15], $0x2000, s16, s15, $0x38;
	[tilespmem:$0x14000] =	vst v63  }
0x60: {  	s2 =	simm.s32 @!p0 $0x0  }
0x61: {  	[tilespmem:s2], [sflag:$0x1] =	stream.linear.gather @!p0 [hbm4b:s14+s2], $0x2000, $0x38;
	[tilespmem:$0x14000] =	vst v63  }
0x62: {  	_ =	swait.ge [sflag:s0], $0x2000  }
0x63: {  	[sflag:s0] =	ssyncset.done $0x0  }
0x64: {  	[sflag:s0] =	ssyncadd.s32 $0xFFFFE000  }
0x65: {  	_ =	swait.ge [sflag:s23], $0x2000  }
0x66: {  	[sflag:s23] =	ssyncset.done $0x0  }
0x67: {  	[sflag:s23] =	ssyncadd.s32 $0xFFFFE000  }
0x68: {  	_ =	swait.ge [sflag:s1], $0x2000  }
0x69: {  	[sflag:s1] =	ssyncset.done $0x0  }
0x6a: {  	s7 =	sadd.s32 @!p0 s4, s13;
	s2 =	sadd.s32 s4, s11;
	[sflag:s1] =	ssyncadd.s32 $0xFFFFE000  }
0x6b: {  	[hbm4b:s2+s15] =	stream.strided.scatter [tilespmem:s24], [sflag:$0x7], $0x2000, s16, s15, $0x38;
	[tilespmem:$0x14000] =	vst v63  }
0x6c: {  	s8 =	simm.s32 @!p0 $0x80;
	s21 =	simm.s32 @!p0 $0x200;
	s17 =	simm.s32 @!p0 $0x4000  }
0x6d: {  	[tilespmem:s17], [sflag:$0x3] =	stream.strided.gather @!p0 [hbm4b:s7+s8], $0x2000, s21, s8, $0x38;
	[tilespmem:$0x14000] =	vst v63  }
0x6e: {  	_ =	swait.ge [sflag:s25], $0x2000  }
0x6f: {  	[sflag:s25] =	ssyncset.done $0x0  }
0x70: {  	[sflag:s25] =	ssyncadd.s32 $0xFFFFE000  }
0x71: {  	_ =	swait.ge [sflag:s3], $0x2000  }
0x72: {  	[sflag:s3] =	ssyncset.done $0x0  }
0x73: {  	s18 =	sadd.s32 $0x10, s2;
	[sflag:s3] =	ssyncadd.s32 $0xFFFFE000  }
0x74: {  	[hbm4b:s18+s15] =	stream.strided.scatter [tilespmem:s26], [sflag:$0x8], $0x2000, s16, s15, $0x38;
	[tilespmem:$0x14000] =	vst v63  }
0x75: {  	s17 =	sadd.s32 @!p0 $0x10, s7;
	s18 =	simm.s32 @!p0 $0x6000  }
0x76: {  	[tilespmem:s18], [sflag:$0x4] =	stream.strided.gather @!p0 [hbm4b:s17+s8], $0x2000, s21, s8, $0x38;
	[tilespmem:$0x14000] =	vst v63  }
0x77: {  	_ =	swait.ge [sflag:s28], $0x2000  }
0x78: {  	[sflag:s28] =	ssyncset.done $0x0  }
0x79: {  	[sflag:s28] =	ssyncadd.s32 $0xFFFFE000  }
0x7a: {  	_ =	swait.ge [sflag:s5], $0x2000  }
0x7b: {  	[sflag:s5] =	ssyncset.done $0x0  }
0x7c: {  	s18 =	sadd.s32 $0x20, s2;
	[sflag:s5] =	ssyncadd.s32 $0xFFFFE000  }
0x7d: {  	[hbm4b:s18+s15] =	stream.strided.scatter [tilespmem:s29], [sflag:$0x9], $0x2000, s16, s15, $0x38;
	[tilespmem:$0x14000] =	vst v63  }
0x7e: {  	s7 =	sadd.s32 @!p0 $0x20, s7;
	s17 =	simm.s32 @!p0 $0x8000  }
0x7f: {  	[tilespmem:s17], [sflag:$0x5] =	stream.strided.gather @!p0 [hbm4b:s7+s8], $0x2000, s21, s8, $0x38;
	[tilespmem:$0x14000] =	vst v63  }
0x80: {  	_ =	swait.ge [sflag:s30], $0x2000  }
0x81: {  	[sflag:s30] =	ssyncset.done $0x0  }
.Ltmp2:
0x82: {  	[sflag:s30] =	ssyncadd.s32 $0xFFFFE000;
	(pc) =	sbr.rel @p0 .LBB2_4-.Ltmp2, $4  }
0x83: {  	_ =	swait.ge [sflag:s6], $0x2000  }
0x84: {  	[sflag:s6] =	ssyncset.done $0x0  }
0x85: {  	s2 =	sadd.s32 $0x30, s2;
	[sflag:s6] =	ssyncadd.s32 $0xFFFFE000  }
0x86: {  	[hbm4b:s2+s15] =	stream.strided.scatter [tilespmem:s31], [sflag:$0xA], $0x2000, s16, s15, $0x38;
	[tilespmem:$0x14000] =	vst v63  }
.Ltmp3:
0x87: {  	(pc) =	sbr.rel .LBB2_2-.Ltmp3, $4  }
0x88: {  	_ = 	snop  }
0x89: {  	s2 =	sadd.s32 s4, s13;
	s4 =	sadd.s32 $0x2000, s4  }
0x8a: {  	s12 =	sadd.s32 $0x800, s12;
	s14 =	sadd.s32 $0x800, s14;
	s2 =	sadd.s32 $0x30, s2  }
0x8b: {  	[tilespmem:s20], [sflag:$0x6] =	stream.strided.gather [hbm4b:s2+s15], $0x2000, s16, s15, $0x38;
	[tilespmem:$0x14000] =	vst v63  }
.LBB2_5:
0x8c: {  	_ =	sfence.sel $0x180000  }
0x8d: {  	[bflag:$0x0] =	sbarrier.arrive $0xFFFF  }
0x8e: {  	_ =	strace $0x9000004D  }
0x8f: {  	s0 =	stileid.u32;
	[bflag:$0x2] =	sbarrier.arrive $0xFFFF  }
0x90: {  	p0 =	sne.s32 s0, $0x0;
	s0 =	rddreg [dreg:$0x2]  }
0x91: {  	s0 =	sadd.s32 @!p0 $0x100000, s0  }
0x92: {  	[sflag:s0] =	ssyncadd.tile.s32 @!p0 $0x1;
	_ =	shalt  }
.Lfunc_end2:
_tile_overlayer_lowered:
.L_overlay_start_2:
0x93: {  	(tag) =	ssettag $0x2  }
0x94: {  	s0 =	rddreg [dreg:$0x0];
	s2 =	stileid.u32  }
0x95: {  	s1 =	rddreg [dreg:$0x1];
	p0 =	sne.s32 s2, $0x0  }
0x96: {  	s3 =	rddreg [dreg:$0x2];
	[bflag:$0x3] =	sbarrier.arrive $0xFFFF;
	s2 =	simm.s32 @!p0 $0x1C0B  }
0x97: {  	[timem:s3], [sflag:s2] =	dma.local @!p0 [hbm:s0], s1  }
0x98: {  	s0 =	simm.s32 @!p0 $0xB  }
0x99: {  	_ =	swait.ge @!p0 [sflag:s0], s1  }
0x9a: {  	s1 =	ssub.s32 @!p0 $0x0, s1;
	[sflag:s0] =	ssyncset.done @!p0 $0x0  }
0x9b: {  	[sflag:s0] =	ssyncadd.s32 @!p0 s1  }
0x9c: {  	[bflag:$0x3] =	sbarrier.arrive $0xFFFF  }
0x9d: {  	_ =	shalt  }

// kernel: sparse-core-data-format-call.1.cloned.1.call-start
scs
called_computation.1_lowered:
.L_overlay_start_0:
0x0: {  	s2 =	sld [smem:$0x3FD9]  }
0x1: {  	s3 =	sld [smem:$0x3FFE];
	_ =	sdelay $0x1  }
0x2: {  	s1 =	srdreg.scid  }
0x3: {  	s0 =	sand.u32 $0x1, s1  }
0x4: {  	s18 =	sshll.u32 s0, $0xA;
	s2 =	sadd.s32 s3, s2  }
0x5: {  	s2 =	sadd.s32 s2, s18  }
0x6: {  	[smem:$0x3FC6] =	sst s2  }
0x7: {  	_ = 	snop  }
0x8: {  	s2 =	sld [smem:$0x3FC8];
	(tm) =	ssettm $0x1  }
0x9: {  	s19 =	sld [smem:$0x3FFB];
	_ =	sdelay $0x3  }
0xa: {  	_ =	strace s19  }
0xb: {  	s3 =	sld [smem:$0x3FFC];
	_ =	sdelay $0x3  }
0xc: {  	_ =	strace s3  }
0xd: {  	s3 =	sld [smem:$0x3FFD];
	_ =	sdelay $0x3  }
0xe: {  	_ =	strace s3  }
0xf: {  	_ =	strace $0x8FFFFFFF  }
0x10: {  	s20 =	sld [smem:$0x3FDB];
	_ =	sdelay $0x1  }
0x11: {  	s4 =	simm.s32 $_scs_section_size  }
0x12: {  	s5 =	simm.s32 $_size__tile_overlayer_lowered;
	s6 =	simm.s32 $_tile_overlayer_lowered  }
0x13: {  	s23 =	simm.s32 $0x1BFF;
	s22 =	sshll.u32 s6, $0x1;
	s3 =	sadd.s32 s4, s20  }
0x14: {  	s7 =	simm.s32 $0x0;
	s21 =	sshll.u32 s5, $0x1;
	s5 =	sadd.s32 s22, s3  }
0x15: {  	[timem:s7], [sflag:s23] =	dma.local [hbm:s5], s21  }
0x16: {  	_ =	swait.ge [sflag:s23], s21  }
0x17: {  	s4 =	ssub.s32 $0x0, s21;
	[sflag:s23] =	ssyncset.done $0x0  }
0x18: {  	[sflag:s23] =	ssyncadd.s32 s4;
	_ =	sdelay $0x1  }
0x19: {  	s24 =	simm.s32 $0x1B8B  }
0x1a: {  	_ =	swait.ge [sflag:s24], $0x1  }
0x1b: {  	[sflag:s24] =	ssyncset.done $0x0  }
0x1c: {  	s26 =	simm.s32 $0x1B8E;
	s25 =	sld [smem:$0x3FFE];
	[sflag:s24] =	ssyncadd.s32 $0xFFFFFFFF  }
0x1d: {  	s27 =	simm.s32 $execute0_lowered;
	[smem:$0x3FD2] =	sst s26  }
0x1e: {  	s5 =	sshll.u32 s27, $0x1;
	_ =	strace $0x80000046;
	[dreg:$0x1] =	wrdreg $0xFFFFFFFF  }
0x1f: {  	s28 =	simm.s32 $_size_execute0_lowered;
	s3 =	sadd.s32 s3, s5;
	[dreg:$0x0] =	wrdreg $0x0  }
0x20: {  	s5 =	sshll.u32 s28, $0x1;
	[dreg:$0x2] =	wrdreg s3  }
0x21: {  	[dreg:$0x3] =	wrdreg s5  }
0x22: {  	[dreg:$0x4] =	wrdreg $0xC0  }
0x23: {  	_ =	task [dreg:s7], $0x5FFFF  }
0x24: {  	[dreg:$0x1] =	wrdreg $0xFFFFFFFF  }
0x25: {  	[dreg:$0x0] =	wrdreg $0x60  }
0x26: {  	[dreg:$0x2] =	wrdreg s2  }
0x27: {  	[dreg:$0x3] =	wrdreg s25  }
0x28: {  	[dreg:$0x4] =	wrdreg $0x9  }
0x29: {  	_ =	task.clear_ibuf [dreg:s7], $0x5FFFF;
	_ =	strace $0x90000046  }
0x2a: {  	s29 =	simm.s32 $0x9;
	_ =	strace $0x80000048  }
0x2b: {  	_ =	swait.ge [sflag:s29], $0x1  }
0x2c: {  	[sflag:s29] =	ssyncadd.s32 $0xFFFFFFFF  }
0x2d: {  	_ =	strace $0x90000048  }
0x2e: {  	_ =	sfence  }
0x2f: {  	s30 =	sld [smem:$0x0];
	_ =	sdelay $0x2  }
0x30: {  	s31 =	sshll.u32 s1, $0xD;
	s1 =	sshrl.u32 s1, $0x2  }
0x31: {  	s3 =	sand.u32 $0x4000, s31;
	s1 =	sadd.s32 s1, s30  }
0x32: {  	s0 =	sor.u32 s3, s0;
	s1 =	sshll.u32 s1, $0x11  }
0x33: {  	s0 =	sor.u32 s1, s0  }
0x34: {  	s0 =	sadd.s32 $0x8F2B, s0  }
0x35: {  	[sflag:s0] =	ssyncadd.remote.s32 $0x1  }
0x36: {  	_ =	sfence.sel $0xFFFF  }
0x37: {  	[dreg:$0x0] =	wrdreg $0xFFFFFFFF;
	(pc) =	sbr.abs _section_cstart, $3  }
0x38: {  	[dreg:$0x1] =	wrdreg $0xFFFFFFFF  }
0x39: {  	_ =	task.clear_ibuf [dreg:s7], $0x2FFFF;
	_ =	strace $0x9FFFFFFF  }
0x3a: {  	(tm) =	ssettm $0x7FFFFFFF  }
0x3b: {  	_ =	shalt  }
tec
execute0_lowered:
.L_overlay_start_1:
0x0: {  	(tag) =	ssettag $0x1  }
0x1: {  	s0 =	srdreg.scid  }
0x2: {  	s1 =	sshll.u32 s0, $0x4  }
0x3: {  	s2 =	rddreg [dreg:$0x0];
	s0 =	stileid.u32;
	s1 =	sand.u32 $0x10, s1  }
0x4: {  	s4 =	rddreg [dreg:$0x1];
	s7 =	simm.s32 $0x1;
	s1 =	sor.u32 s0, s1  }
0x5: {  	s8 =	simm.s32 $0x2;
	s9 =	simm.s32 $0x0;
	s3 =	sshll.u32 s1, $0x1  }
0x6: {  	s12 =	simm.s32 $0x0;
	s11 =	simm.s32 $0x0;
	s6 =	ssub.s32 $0x400, s3  }
.Ltmp0:
0x7: {  	s4 =	sadd.s32 $0x1000, s4;
	s5 =	sand.u32 $0x3E, s6;
	(pc) =	sbr.rel .LBB1_1-.Ltmp0, $4  }
0x8: {  	s1 =	rddreg [dreg:$0x2];
	_ =	strace $0x80000047;
	p0 =	sne.s32 s5, $0x0  }
0x9: {  	s6 =	sshrl.u32 s6, $0x6;
	s5 =	simm.s32 $0x1;
	s7 =	simm.s32 @!p0 $0x0  }
0xa: {  	s10 =	smov.u32 s3;
	[sflag:s5] =	ssyncpa.u1 $0x0;
	s6 =	sadd.s32 s7, s6  }
0xb: {  	[sflag:s8] =	ssyncpa.u1 $0x0;
	s8 =	simm.s32 $0x0;
	s7 =	sadd.s32 $0x1, s6  }
.LBB1_9:
0xc: {  	s14 =	sadd.s32 $0x40, s10  }
0xd: {  	p1 =	sgt.s32 s14, $0x3FF  }
0xe: {  	s14 =	smov.u32 @p1 s3;
	p1 =	sne.s32 s11, s7  }
.Ltmp1:
0xf: {  	p0 =	slt.u32 s11, $0x2;
	(pc) =	sbr.rel @!p1 .LBB1_10-.Ltmp1, $4  }
0x10: {  	s13 =	simm.s32 @!p0 $0x2  }
0x11: {  	s15 =	sadd.s32 $0x1, s11;
	_ =	swait.ge @!p0 [sflag:s13], $0x4000  }
0x12: {  	s12 =	smov.u32 s10;
	s9 =	sadd.s32 $0x4000, s9;
	[sflag:s13] =	ssyncset.done @!p0 $0x0  }
0x13: {  	s11 =	smov.u32 s15;
	s10 =	smov.u32 s14;
	[sflag:s13] =	ssyncadd.s32 @!p0 $0xFFFFC000  }
.LBB1_1:
0x14: {  	p0 =	sge.u32 s11, s6  }
0x15: {  	s13 =	sxor.u32 @!p0 $0xFFFFFFFF, s11  }
0x16: {  	s31 =	sadd.s32 $0xFFFFFFFF, s11;
	s14 =	sshll.u32 @!p0 s10, $0xA;
	s13 =	sshll.u32 @!p0 s13, $0xE  }
0x17: {  	s15 =	simm.s32 @!p0 $0x0;
	s14 =	sadd.s32 @!p0 s2, s14;
	s13 =	sand.u32 @!p0 $0x4000, s13  }
0x18: {  	[tilespmem:s13], [sflag:$0x1] =	stream.linear.gather @!p0 [hbm4b:s14+s15], $0x4000, $0x38;
	[tilespmem:$0x10000] =	vst v63  }
0x19: {  	p0 =	sge.u32 s31, s6  }
.Ltmp2:
0x1a: {  	_ = 	snop;
	(pc) =	sbr.rel @p0 .LBB1_9-.Ltmp2, $1  }
0x1b: {  	_ =	sdelay $0x3  }
0x1c: {  	s13 =	sshll.u32 s9, $0x2  }
0x1d: {  	_ =	swait.ge [sflag:s5], $0x4000;
	s14 =	sshll.u32 s11, $0xE;
	s16 =	simm.s32 $0x0  }
0x1e: {  	p1 =	por $0x1, $0x1;
	s13 =	sand.u32 $0x10000, s13;
	[sflag:s5] =	ssyncset.done $0x0  }
0x1f: {  	s14 =	sand.u32 $0x4000, s14;
	s15 =	sshrl.u32 s13, $0x2;
	[sflag:s5] =	ssyncadd.s32 $0xFFFFC000  }
0x20: {  	s13 =	sor.u32 $0x8000, s14;
	s14 =	sadd.s32 $0x8040, s15;
	s15 =	sadd.s32 $0x40, s15  }
.LBB1_3:
0x21: {  	s16 =	sshll.u32 s16, $0x2  }
0x22: {  	p0 =	por p1, p1;
	s17 =	sshra.s32 s16, $0x2  }
0x23: {  	s18 =	simm.s32 $0x0;
	s16 =	sadd.s32 s17, s14;
	s17 =	sadd.s32 s17, s15  }
.LBB1_4:
0x24: {  	v0 =	vmov s17;
	_ =	sdelay $0x3  }
0x25: {  	s20 =	simm.s32 $0x0  }
0x26: {  	v6 =	vld.idx.msk [tilespmem:v0+s20+$0x30 ss:$0x1], $0xffff  }
0x27: {  	v7 =	vld.idx.msk [tilespmem:v0+s20+$0xFFFFFFC0 ss:$0x1], $0xffff  }
0x28: {  	v5 =	vld.idx.msk [tilespmem:v0+s20+$0xFFFFFFD0 ss:$0x1], $0xffff  }
0x29: {  	v4 =	vld.idx.msk [tilespmem:v0+s20+$0xFFFFFFE0 ss:$0x1], $0xffff  }
0x2a: {  	v3 =	vld.idx.msk [tilespmem:v0+s20+$0xFFFFFFF0 ss:$0x1], $0xffff  }
0x2b: {  	v1 =	vld.idx.msk [tilespmem:v0+s20+$0x0 ss:$0x1], $0xffff  }
0x2c: {  	v2 =	vld.idx.msk [tilespmem:v0+s20+$0x10 ss:$0x1], $0xffff;
	[tilespmem:s16+$0x30] =	vst v6  }
0x2d: {  	s19 =	simm.s32 $0x80;
	s21 =	simm.s32 $0x400;
	[tilespmem:s16+$0xFFFFFFC0] =	vst v7;
	v6 =	vld.idx.msk [tilespmem:v0+s20+$0x20 ss:$0x1], $0xffff;
	s20 =	smov.u32 s16  }
.LBB1_5:
0x2e: {  	p1 =	sne.s32 s21, $0xE00;
	v7 =	vld.idx.msk [tilespmem:v0+s19+$0x30 ss:$0x1], $0xffff;
	[tilespmem:s20+$0xFFFFFFD0] =	vst v5  }
0x2f: {  	v8 =	vld.idx.msk [tilespmem:v0+s19+$0xFFFFFFC0 ss:$0x1], $0xffff;
	[tilespmem:s20+$0xFFFFFFE0] =	vst v4  }
0x30: {  	v5 =	vld.idx.msk [tilespmem:v0+s19+$0xFFFFFFD0 ss:$0x1], $0xffff;
	[tilespmem:s20+$0xFFFFFFF0] =	vst v3  }
.Ltmp3:
0x31: {  	v4 =	vld.idx.msk [tilespmem:v0+s19+$0xFFFFFFE0 ss:$0x1], $0xffff;
	[tilespmem:s20+$0x0] =	vst v1;
	(pc) =	sbr.rel @p1 .LBB1_5-.Ltmp3, $4  }
0x32: {  	v3 =	vld.idx.msk [tilespmem:v0+s19+$0xFFFFFFF0 ss:$0x1], $0xffff;
	[tilespmem:s20+$0x10] =	vst v2  }
0x33: {  	v1 =	vld.idx.msk [tilespmem:v0+s19+$0x0 ss:$0x1], $0xffff;
	[tilespmem:s20+$0x20] =	vst v6;
	s20 =	sadd.s32 $0x400, s20  }
0x34: {  	v2 =	vld.idx.msk [tilespmem:v0+s19+$0x10 ss:$0x1], $0xffff;
	[tilespmem:s20+$0x30] =	vst v7  }
0x35: {  	[tilespmem:s20+$0xFFFFFFC0] =	vst v8;
	v6 =	vld.idx.msk [tilespmem:v0+s19+$0x20 ss:$0x1], $0xffff;
	s19 =	sshra.s32 s21, $0x2;
	s21 =	sadd.s32 $0x200, s21  }
0x36: {  	_ =	sdelay $0x2  }
0x37: {  	[tilespmem:s20+$0xFFFFFFD0] =	vst v5  }
0x38: {  	v56 =	vld.idx.msk [tilespmem:v0+s19+$0x30 ss:$0x1], $0xffff;
	[tilespmem:s20+$0xFFFFFFE0] =	vst v4  }
0x39: {  	v57 =	vld.idx.msk [tilespmem:v0+s19+$0xFFFFFFC0 ss:$0x1], $0xffff;
	[tilespmem:s20+$0xFFFFFFF0] =	vst v3  }
0x3a: {  	v58 =	vld.idx.msk [tilespmem:v0+s19+$0xFFFFFFD0 ss:$0x1], $0xffff;
	[tilespmem:s20+$0x0] =	vst v1  }
0x3b: {  	v59 =	vld.idx.msk [tilespmem:v0+s19+$0xFFFFFFE0 ss:$0x1], $0xffff;
	[tilespmem:s20+$0x10] =	vst v2  }
0x3c: {  	v60 =	vld.idx.msk [tilespmem:v0+s19+$0xFFFFFFF0 ss:$0x1], $0xffff;
	s31 =	sadd.s32 $0x400, s20;
	[tilespmem:s20+$0x20] =	vst v6  }
0x3d: {  	v61 =	vld.idx.msk [tilespmem:v0+s19+$0x0 ss:$0x1], $0xffff;
	[tilespmem:s31+$0x30] =	vst v56  }
0x3e: {  	v62 =	vld.idx.msk [tilespmem:v0+s19+$0x10 ss:$0x1], $0xffff;
	s18 =	sadd.s32 $0x1, s18;
	[tilespmem:s31+$0xFFFFFFC0] =	vst v57  }
0x3f: {  	v63 =	vld.idx.msk [tilespmem:v0+s19+$0x20 ss:$0x1], $0xffff;
	p1 =	sne.s32 s18, $0x8;
	[tilespmem:s31+$0xFFFFFFD0] =	vst v58  }
.Ltmp4:
0x40: {  	[tilespmem:s31+$0xFFFFFFE0] =	vst v59;
	(pc) =	sbr.rel @p1 .LBB1_4-.Ltmp4, $4  }
0x41: {  	[tilespmem:s31+$0xFFFFFFF0] =	vst v60  }
0x42: {  	[tilespmem:s31+$0x0] =	vst v61  }
0x43: {  	[tilespmem:s31+$0x10] =	vst v62  }
0x44: {  	s16 =	sadd.s32 $0x80, s16;
	s17 =	sadd.s32 $0x400, s17;
	[tilespmem:s31+$0x20] =	vst v63  }
.Ltmp5:
0x45: {  	(pc) =	sbr.rel @p0 .LBB1_3-.Ltmp5, $2  }
0x46: {  	_ =	sdelay $0x2  }
0x47: {  	s16 =	simm.s32 $0x2000;
	p1 =	por $0x0, $0x0  }
.Ltmp6:
0x48: {  	(pc) =	sbr.rel .LBB1_9-.Ltmp6, $4  }
0x49: {  	_ = 	snop  }
0x4a: {  	s12 =	sshll.u32 s12, $0xA  }
0x4b: {  	s12 =	sadd.s32 s4, s12  }
0x4c: {  	[hbm4b:s12+s8] =	stream.linear.scatter [tilespmem:s13], [sflag:$0x2], $0x4000, $0x38;
	[tilespmem:$0x10000] =	vst v63  }
.LBB1_10:
0x4d: {  	_ =	sfence.sel $0x180000  }
0x4e: {  	s2 =	simm.s32 $0x1;
	[bflag:$0x0] =	sbarrier.arrive $0xFFFF  }
0x4f: {  	s31 =	simm.s32 $0x2;
	[sflag:s2] =	ssyncpa.u1 $0x1  }
0x50: {  	[sflag:s31] =	ssyncpa.u1 $0x1  }
0x51: {  	p0 =	sne.s32 s0, $0x0;
	_ =	strace $0x90000047  }
0x52: {  	s0 =	sadd.s32 @!p0 $0x100000, s1;
	[bflag:$0x2] =	sbarrier.arrive $0xFFFF  }
0x53: {  	[sflag:s0] =	ssyncadd.tile.s32 @!p0 $0x1;
	_ =	shalt  }
.Lfunc_end1:
_tile_overlayer_lowered:
.L_overlay_start_2:
0x54: {  	(tag) =	ssettag $0x2  }
0x55: {  	s0 =	rddreg [dreg:$0x0];
	s2 =	stileid.u32  }
0x56: {  	s1 =	rddreg [dreg:$0x1];
	p0 =	sne.s32 s2, $0x0  }
0x57: {  	s3 =	rddreg [dreg:$0x2];
	[bflag:$0x3] =	sbarrier.arrive $0xFFFF;
	s2 =	simm.s32 @!p0 $0x1C01  }
0x58: {  	[timem:s3], [sflag:s2] =	dma.local @!p0 [hbm:s0], s1  }
0x59: {  	s0 =	simm.s32 @!p0 $0x1  }
0x5a: {  	_ =	swait.ge @!p0 [sflag:s0], s1  }
0x5b: {  	s1 =	ssub.s32 @!p0 $0x0, s1;
	[sflag:s0] =	ssyncset.done @!p0 $0x0  }
0x5c: {  	[sflag:s0] =	ssyncadd.s32 @!p0 s1  }
0x5d: {  	[bflag:$0x3] =	sbarrier.arrive $0xFFFF  }
0x5e: {  	_ =	shalt  }

// kernel: sparse-core-data-format-call.2.cloned.1.call-start
scs
called_computation.2_lowered:
.L_overlay_start_0:
0x0: {  	s2 =	sld [smem:$0x3FD9]  }
0x1: {  	s3 =	sld [smem:$0x3FFE];
	_ =	sdelay $0x1  }
0x2: {  	s1 =	srdreg.scid  }
0x3: {  	s0 =	sand.u32 $0x1, s1  }
0x4: {  	s19 =	sshll.u32 s0, $0xA;
	s2 =	sadd.s32 s3, s2  }
0x5: {  	s2 =	sadd.s32 s2, s19  }
0x6: {  	[smem:$0x3FC6] =	sst s2  }
0x7: {  	_ = 	snop  }
0x8: {  	s20 =	sld [smem:$0x3FC9]  }
0x9: {  	s4 =	sld [smem:$0x3FD0];
	(tm) =	ssettm $0x1  }
0xa: {  	s21 =	sld [smem:$0x3FFB];
	_ =	sdelay $0x3  }
0xb: {  	_ =	strace s21  }
0xc: {  	s2 =	sld [smem:$0x3FFC];
	_ =	sdelay $0x3  }
0xd: {  	_ =	strace s2  }
0xe: {  	s2 =	sld [smem:$0x3FFD];
	_ =	sdelay $0x3  }
0xf: {  	_ =	strace s2  }
0x10: {  	_ =	strace $0x8FFFFFFF  }
0x11: {  	s22 =	sld [smem:$0x3FDB];
	_ =	sdelay $0x1  }
0x12: {  	s5 =	simm.s32 $_scs_section_size  }
0x13: {  	s6 =	simm.s32 $_size__tile_overlayer_lowered;
	s7 =	simm.s32 $_tile_overlayer_lowered  }
0x14: {  	s8 =	simm.s32 $0x1BFF;
	s23 =	sshll.u32 s7, $0x1;
	s5 =	sadd.s32 s5, s22  }
0x15: {  	s24 =	simm.s32 $0x0;
	s6 =	sshll.u32 s6, $0x1;
	s7 =	sadd.s32 s23, s5  }
0x16: {  	[timem:s24], [sflag:s8] =	dma.local [hbm:s7], s6  }
0x17: {  	_ =	swait.ge [sflag:s8], s6  }
0x18: {  	s6 =	ssub.s32 $0x0, s6;
	[sflag:s8] =	ssyncset.done $0x0  }
0x19: {  	[sflag:s8] =	ssyncadd.s32 s6;
	_ =	sdelay $0x1  }
0x1a: {  	s25 =	simm.s32 $0x1B8B  }
0x1b: {  	_ =	swait.ge [sflag:s25], $0x1  }
0x1c: {  	[sflag:s25] =	ssyncset.done $0x0  }
0x1d: {  	[sflag:s25] =	ssyncadd.s32 $0xFFFFFFFF  }
0x1e: {  	s6 =	sld [smem:$0x0]  }
0x1f: {  	s7 =	sand.u32 $0xFFFFFFFE, s1  }
0x20: {  	p0 =	sne.s32 s1, s7  }
0x21: {  	s7 =	sshll.u32 @p0 s7, $0xE  }
0x22: {  	s7 =	sadd.s32 @p0 $0x11B8D, s7;
	s8 =	sshll.u32 @p0 s6, $0x11  }
0x23: {  	s7 =	sor.u32 @p0 s8, s7  }
0x24: {  	[sflag:s7] =	ssyncadd.remote.s32 @p0 $0x1;
	_ =	sdelay $0x1  }
0x25: {  	s7 =	simm.s32 @p0 $0x1B8D  }
0x26: {  	_ =	swait.eq @p0 [sflag:s7], $0x1  }
0x27: {  	[sflag:s7] =	ssyncadd.s32 @p0 $0xFFFFFFFF  }
0x28: {  	s8 =	sshll.u32 @!p0 s1, $0xE  }
0x29: {  	s8 =	sor.u32 @!p0 $0x4000, s8;
	s7 =	simm.s32 @!p0 $0x1B8D  }
0x2a: {  	s6 =	sshll.u32 @!p0 s6, $0x11;
	s8 =	sadd.s32 @!p0 $0x11B8D, s8;
	_ =	swait.eq @!p0 [sflag:s7], $0x1  }
0x2b: {  	s6 =	sor.u32 @!p0 s6, s8;
	[sflag:s7] =	ssyncadd.s32 @!p0 $0xFFFFFFFF  }
0x2c: {  	s26 =	simm.s32 $0x1B8E;
	[sflag:s6] =	ssyncadd.remote.s32 @!p0 $0x1  }
0x2d: {  	s27 =	simm.s32 $execute0_lowered;
	[smem:$0x3FD2] =	sst s26  }
0x2e: {  	s6 =	sshll.u32 s27, $0x1;
	_ =	strace $0x80000049;
	[dreg:$0x1] =	wrdreg $0xFFFFFFFF  }
0x2f: {  	s28 =	simm.s32 $_size_execute0_lowered;
	s5 =	sadd.s32 s5, s6;
	[dreg:$0x0] =	wrdreg $0x0  }
0x30: {  	s6 =	sshll.u32 s28, $0x1;
	[dreg:$0x2] =	wrdreg s5  }
0x31: {  	[dreg:$0x3] =	wrdreg s6  }
0x32: {  	[dreg:$0x4] =	wrdreg $0xC0  }
0x33: {  	_ =	task [dreg:s24], $0x5FFFF  }
0x34: {  	[dreg:$0x1] =	wrdreg $0xFFFFFFFF  }
0x35: {  	[dreg:$0x0] =	wrdreg $0x60  }
0x36: {  	[dreg:$0x2] =	wrdreg s20  }
0x37: {  	[dreg:$0x3] =	wrdreg s4  }
0x38: {  	[dreg:$0x4] =	wrdreg $0xA  }
0x39: {  	_ =	task.clear_ibuf [dreg:s24], $0x5FFFF;
	_ =	strace $0x90000049  }
0x3a: {  	s29 =	simm.s32 $0xA;
	_ =	strace $0x8000004B  }
0x3b: {  	_ =	swait.ge [sflag:s29], $0x1  }
0x3c: {  	[sflag:s29] =	ssyncadd.s32 $0xFFFFFFFF  }
0x3d: {  	_ =	strace $0x9000004B  }
0x3e: {  	_ =	sfence  }
0x3f: {  	s30 =	sld [smem:$0x0];
	_ =	sdelay $0x2  }
0x40: {  	s31 =	sshll.u32 s1, $0xD;
	s1 =	sshrl.u32 s1, $0x2  }
0x41: {  	s4 =	sand.u32 $0x4000, s31;
	s1 =	sadd.s32 s1, s30  }
0x42: {  	s0 =	sor.u32 s4, s0;
	s1 =	sshll.u32 s1, $0x11  }
0x43: {  	s0 =	sor.u32 s1, s0  }
0x44: {  	s0 =	sadd.s32 $0x8F2B, s0  }
0x45: {  	[sflag:s0] =	ssyncadd.remote.s32 $0x1  }
0x46: {  	_ =	sfence.sel $0xFFFF  }
0x47: {  	[dreg:$0x0] =	wrdreg $0xFFFFFFFF;
	(pc) =	sbr.abs _section_cstart, $3  }
0x48: {  	[dreg:$0x1] =	wrdreg $0xFFFFFFFF  }
0x49: {  	_ =	task.clear_ibuf [dreg:s24], $0x2FFFF;
	_ =	strace $0x9FFFFFFF  }
0x4a: {  	(tm) =	ssettm $0x7FFFFFFF  }
0x4b: {  	_ =	shalt  }
tec
execute0_lowered:
.L_overlay_start_1:
0x0: {  	(tag) =	ssettag $0x1  }
0x1: {  	s0 =	stileid.u32;
	s3 =	rddreg [dreg:$0x0]  }
0x2: {  	s1 =	srdreg.scid;
	s4 =	rddreg [dreg:$0x1]  }
0x3: {  	s7 =	simm.s32 $0x1;
	s2 =	sshll.u32 s0, $0x5;
	s1 =	sshll.u32 s1, $0x9  }
0x4: {  	s31 =	simm.s32 $0x2;
	s15 =	simm.s32 $0x0;
	s1 =	sor.u32 s2, s1  }
0x5: {  	s9 =	simm.s32 $0x1000;
	s10 =	simm.s32 $0x0;
	s2 =	sand.u32 $0x380, s1  }
0x6: {  	s16 =	simm.s32 $0x0;
	s17 =	simm.s32 $0x0;
	s5 =	ssub.s32 $0x2000, s2  }
0x7: {  	s11 =	simm.s32 $0x0;
	s14 =	simm.s32 $0x0;
	s6 =	sand.u32 $0x380, s5  }
.Ltmp0:
0x8: {  	s1 =	rddreg [dreg:$0x2];
	p0 =	sne.s32 s6, $0x0;
	(pc) =	sbr.rel .LBB1_1-.Ltmp0, $4  }
0x9: {  	_ =	strace $0x8000004A;
	s8 =	sshrl.u32 s5, $0xA;
	s7 =	simm.s32 @!p0 $0x0  }
0xa: {  	s12 =	smov.u32 s2;
	s6 =	simm.s32 $0x1;
	s7 =	sadd.s32 s7, s8  }
0xb: {  	s5 =	sand.u32 $0x3, s0;
	[sflag:s6] =	ssyncpa.u1 $0x0;
	s7 =	sshll.u32 s7, $0x3  }
0xc: {  	s13 =	smov.u32 s5;
	[sflag:s31] =	ssyncpa.u1 $0x0;
	s8 =	sor.u32 $0x1, s7  }
.LBB1_4:
0xd: {  	_ =	sdelay $0x3  }
0xe: {  	[tilespmem:v0+s20+$0xFFFFFFA0 ss:$0x1] =	vst.idx.msk $0xffff, v6  }
0xf: {  	v56 =	vld.idx.msk [tilespmem:v1+s19+$0x30 ss:$0x1], $0xffff;
	[tilespmem:v0+s20+$0xFFFFFFB0 ss:$0x1] =	vst.idx.msk $0xffff, v4  }
0x10: {  	v57 =	vld.idx.msk [tilespmem:v1+s19+$0xFFFFFFC0 ss:$0x1], $0xffff;
	[tilespmem:v0+s20+$0xFFFFFFC0 ss:$0x1] =	vst.idx.msk $0xffff, v2  }
0x11: {  	v58 =	vld.idx.msk [tilespmem:v1+s19+$0xFFFFFFD0 ss:$0x1], $0xffff;
	[tilespmem:v0+s20+$0xFFFFFFD0 ss:$0x1] =	vst.idx.msk $0xffff, v3  }
0x12: {  	v59 =	vld.idx.msk [tilespmem:v1+s19+$0xFFFFFFE0 ss:$0x1], $0xffff;
	[tilespmem:v0+s20+$0xFFFFFFE0 ss:$0x1] =	vst.idx.msk $0xffff, v5  }
0x13: {  	v60 =	vld.idx.msk [tilespmem:v1+s19+$0xFFFFFFF0 ss:$0x1], $0xffff;
	[tilespmem:v0+s20+$0xFFFFFFF0 ss:$0x1] =	vst.idx.msk $0xffff, v7  }
0x14: {  	v61 =	vld.idx.msk [tilespmem:v1+s19+$0x0 ss:$0x1], $0xffff;
	[tilespmem:v0+s19+$0x0 ss:$0x1] =	vst.idx.msk $0xffff, v56  }
0x15: {  	v62 =	vld.idx.msk [tilespmem:v1+s19+$0x10 ss:$0x1], $0xffff;
	[tilespmem:v0+s19+$0xFFFFFF90 ss:$0x1] =	vst.idx.msk $0xffff, v57  }
0x16: {  	s17 =	sshll.u32 s17, $0x7;
	v63 =	vld.idx.msk [tilespmem:v1+s19+$0x20 ss:$0x1], $0xffff;
	s28 =	sand.u32 $0x78, s15;
	s21 =	sshll.u32 s15, $0x2;
	[tilespmem:v0+s19+$0xFFFFFFA0 ss:$0x1] =	vst.idx.msk $0xffff, v58  }
0x17: {  	s16 =	sshll.u32 s16, $0x9;
	s30 =	sshrl.u32 s15, $0x1;
	s17 =	sand.u32 $0x180, s17;
	[tilespmem:v0+s19+$0xFFFFFFB0 ss:$0x1] =	vst.idx.msk $0xffff, v59  }
0x18: {  	s31 =	sand.u32 $0x7, s15;
	s29 =	sand.u32 $0x200, s21;
	s17 =	sor.u32 s17, s28;
	[tilespmem:v0+s19+$0xFFFFFFC0 ss:$0x1] =	vst.idx.msk $0xffff, v60  }
0x19: {  	s20 =	sand.u32 $0x180, s30;
	s16 =	sadd.s32 s4, s16;
	s17 =	sor.u32 s29, s17;
	[tilespmem:v0+s19+$0xFFFFFFD0 ss:$0x1] =	vst.idx.msk $0xffff, v61  }
0x1a: {  	s15 =	sshll.u32 s31, $0x12;
	s16 =	sadd.s32 s20, s16;
	s17 =	sshrl.u32 s17, $0x3;
	[tilespmem:v0+s19+$0xFFFFFFE0 ss:$0x1] =	vst.idx.msk $0xffff, v62  }
0x1b: {  	s15 =	sor.u32 $0x80, s15;
	[tilespmem:v0+s19+$0xFFFFFFF0 ss:$0x1] =	vst.idx.msk $0xffff, v63;
	s16 =	sadd.s32 s17, s16  }
0x1c: {  	[hbm4b:s16+s15] =	stream.strided.scatter [tilespmem:s18], [sflag:$0x2], $0x4000, s9, s15, $0x38;
	[tilespmem:$0x10000] =	vst v63  }
.LBB1_5:
0x1d: {  	s18 =	sadd.s32 $0x80, s11  }
0x1e: {  	s15 =	sadd.s32 $0x400, s12;
	s19 =	smov.u32 s12;
	p1 =	sgt.s32 s18, $0x3FF  }
0x1f: {  	s19 =	smov.u32 @p1 s15  }
0x20: {  	s21 =	smov.u32 s13;
	s15 =	sadd.s32 $0x4, s13;
	p2 =	sgt.s32 s19, $0x1FFF  }
0x21: {  	s21 =	smov.u32 @p2 s15  }
0x22: {  	s18 =	simm.s32 @p1 $0x0;
	p1 =	sgt.s32 s21, $0x3  }
0x23: {  	p0 =	slt.u32 s14, $0x2;
	s21 =	smov.u32 @p1 s5;
	p1 =	sne.s32 s14, s8  }
.Ltmp1:
0x24: {  	s20 =	simm.s32 @!p0 $0x2;
	(pc) =	sbr.rel @!p1 .LBB1_6-.Ltmp1, $4  }
0x25: {  	s16 =	smov.u32 s12;
	s17 =	smov.u32 s13;
	_ =	swait.ge @!p0 [sflag:s20], $0x4000  }
0x26: {  	s10 =	sadd.s32 $0x4000, s10;
	[sflag:s20] =	ssyncset.done @!p0 $0x0;
	s19 =	smov.u32 @p2 s2  }
0x27: {  	s15 =	smov.u32 s11;
	[sflag:s20] =	ssyncadd.s32 @!p0 $0xFFFFC000;
	s11 =	smov.u32 s18  }
0x28: {  	s12 =	smov.u32 s19;
	s14 =	sadd.s32 $0x1, s14;
	s13 =	smov.u32 s21  }
.LBB1_1:
0x29: {  	p0 =	sge.u32 s14, s7  }
0x2a: {  	s31 =	sadd.s32 $0xFFFFFFFF, s14;
	s18 =	sshll.u32 @!p0 s12, $0x7  }
0x2b: {  	s19 =	sxor.u32 @!p0 $0xFFFFFFFF, s14;
	s20 =	sand.u32 @!p0 $0x78, s11;
	s21 =	sand.u32 @!p0 $0x380, s18  }
0x2c: {  	s19 =	sshll.u32 @!p0 s19, $0xE;
	s20 =	sor.u32 @!p0 s20, s21;
	s21 =	sshll.u32 @!p0 s13, $0x14  }
0x2d: {  	s18 =	sand.u32 @!p0 $0xFFC00, s18;
	s20 =	sshrl.u32 @!p0 s20, $0x3;
	s21 =	sadd.s32 @!p0 s3, s21  }
0x2e: {  	s18 =	sadd.s32 @!p0 s11, s18;
	s20 =	sadd.s32 @!p0 s20, s21;
	s21 =	sand.u32 @!p0 $0x7, s11  }
0x2f: {  	s19 =	sand.u32 @!p0 $0x4000, s19;
	s18 =	sand.u32 @!p0 $0xFFF80, s18;
	s21 =	sshll.u32 @!p0 s21, $0x12  }
0x30: {  	s18 =	sadd.s32 @!p0 s18, s20;
	s20 =	sor.u32 @!p0 $0x400, s21;
	s21 =	simm.s32 @!p0 $0x2000  }
0x31: {  	[tilespmem:s19], [sflag:$0x1] =	stream.strided.gather @!p0 [hbm4b:s18+s20], $0x4000, s21, s20, $0x38;
	[tilespmem:$0x10000] =	vst v63  }
0x32: {  	p0 =	sge.u32 s31, s7  }
.Ltmp2:
0x33: {  	_ = 	snop;
	(pc) =	sbr.rel @p0 .LBB1_5-.Ltmp2, $1  }
0x34: {  	_ =	sdelay $0x3  }
0x35: {  	s18 =	sand.u32 $0x4000, s10  }
0x36: {  	s19 =	sor.u32 $0x40, s18  }
0x37: {  	v1 =	vmov s19;
	_ =	sdelay $0x1  }
0x38: {  	_ =	swait.ge [sflag:s6], $0x4000  }
0x39: {  	[sflag:s6] =	ssyncset.done $0x0  }
0x3a: {  	s20 =	simm.s32 $0x0;
	[sflag:s6] =	ssyncadd.s32 $0xFFFFC000  }
0x3b: {  	s18 =	sor.u32 $0x8070, s18;
	v7 =	vld.idx.msk [tilespmem:v1+s20+$0x30 ss:$0x1], $0xffff  }
0x3c: {  	v0 =	vmov s18;
	v8 =	vld.idx.msk [tilespmem:v1+s20+$0xFFFFFFC0 ss:$0x1], $0xffff  }
0x3d: {  	v6 =	vld.idx.msk [tilespmem:v1+s20+$0xFFFFFFD0 ss:$0x1], $0xffff  }
0x3e: {  	v4 =	vld.idx.msk [tilespmem:v1+s20+$0xFFFFFFE0 ss:$0x1], $0xffff  }
0x3f: {  	v2 =	vld.idx.msk [tilespmem:v1+s20+$0xFFFFFFF0 ss:$0x1], $0xffff  }
0x40: {  	s31 =	sshll.u32 s14, $0xE;
	v3 =	vld.idx.msk [tilespmem:v1+s20+$0x0 ss:$0x1], $0xffff  }
0x41: {  	s18 =	sand.u32 $0x4000, s31;
	v5 =	vld.idx.msk [tilespmem:v1+s20+$0x10 ss:$0x1], $0xffff;
	[tilespmem:v0+s20+$0x0 ss:$0x1] =	vst.idx.msk $0xffff, v7  }
0x42: {  	s21 =	simm.s32 $0x400;
	s19 =	simm.s32 $0x80;
	s18 =	sor.u32 $0x8000, s18;
	[tilespmem:v0+s20+$0xFFFFFF90 ss:$0x1] =	vst.idx.msk $0xffff, v8;
	v7 =	vld.idx.msk [tilespmem:v1+s20+$0x20 ss:$0x1], $0xffff  }
.LBB1_3:
0x43: {  	p0 =	sne.s32 s21, $0xFE00;
	v8 =	vld.idx.msk [tilespmem:v1+s19+$0x30 ss:$0x1], $0xffff;
	[tilespmem:v0+s20+$0xFFFFFFA0 ss:$0x1] =	vst.idx.msk $0xffff, v6  }
0x44: {  	v9 =	vld.idx.msk [tilespmem:v1+s19+$0xFFFFFFC0 ss:$0x1], $0xffff;
	[tilespmem:v0+s20+$0xFFFFFFB0 ss:$0x1] =	vst.idx.msk $0xffff, v4  }
0x45: {  	v6 =	vld.idx.msk [tilespmem:v1+s19+$0xFFFFFFD0 ss:$0x1], $0xffff;
	[tilespmem:v0+s20+$0xFFFFFFC0 ss:$0x1] =	vst.idx.msk $0xffff, v2  }
.Ltmp3:
0x46: {  	v4 =	vld.idx.msk [tilespmem:v1+s19+$0xFFFFFFE0 ss:$0x1], $0xffff;
	[tilespmem:v0+s20+$0xFFFFFFD0 ss:$0x1] =	vst.idx.msk $0xffff, v3;
	(pc) =	sbr.rel @p0 .LBB1_3-.Ltmp3, $4  }
0x47: {  	v2 =	vld.idx.msk [tilespmem:v1+s19+$0xFFFFFFF0 ss:$0x1], $0xffff;
	[tilespmem:v0+s20+$0xFFFFFFE0 ss:$0x1] =	vst.idx.msk $0xffff, v5  }
0x48: {  	v3 =	vld.idx.msk [tilespmem:v1+s19+$0x0 ss:$0x1], $0xffff;
	[tilespmem:v0+s20+$0xFFFFFFF0 ss:$0x1] =	vst.idx.msk $0xffff, v7;
	s20 =	smov.u32 s19  }
0x49: {  	v5 =	vld.idx.msk [tilespmem:v1+s20+$0x10 ss:$0x1], $0xffff;
	[tilespmem:v0+s20+$0x0 ss:$0x1] =	vst.idx.msk $0xffff, v8  }
0x4a: {  	s19 =	sshra.s32 s21, $0x2;
	s21 =	sadd.s32 $0x200, s21;
	[tilespmem:v0+s20+$0xFFFFFF90 ss:$0x1] =	vst.idx.msk $0xffff, v9;
	v7 =	vld.idx.msk [tilespmem:v1+s20+$0x20 ss:$0x1], $0xffff  }
.Ltmp4:
0x4b: {  	_ = 	snop;
	(pc) =	sbr.rel .LBB1_4-.Ltmp4, $1  }
0x4c: {  	_ =	sdelay $0x3  }
.LBB1_6:
0x4d: {  	_ =	sfence.sel $0x180000  }
0x4e: {  	s2 =	simm.s32 $0x1;
	[bflag:$0x0] =	sbarrier.arrive $0xFFFF  }
0x4f: {  	s31 =	simm.s32 $0x2;
	[sflag:s2] =	ssyncpa.u1 $0x1  }
0x50: {  	[sflag:s31] =	ssyncpa.u1 $0x1  }
0x51: {  	p0 =	sne.s32 s0, $0x0;
	_ =	strace $0x9000004A  }
0x52: {  	s0 =	sadd.s32 @!p0 $0x100000, s1;
	[bflag:$0x2] =	sbarrier.arrive $0xFFFF  }
0x53: {  	[sflag:s0] =	ssyncadd.tile.s32 @!p0 $0x1;
	_ =	shalt  }
.Lfunc_end1:
_tile_overlayer_lowered:
.L_overlay_start_2:
0x54: {  	(tag) =	ssettag $0x2  }
0x55: {  	s0 =	rddreg [dreg:$0x0];
	s2 =	stileid.u32  }
0x56: {  	s1 =	rddreg [dreg:$0x1];
	p0 =	sne.s32 s2, $0x0  }
0x57: {  	s3 =	rddreg [dreg:$0x2];
	[bflag:$0x3] =	sbarrier.arrive $0xFFFF;
	s2 =	simm.s32 @!p0 $0x1C01  }
0x58: {  	[timem:s3], [sflag:s2] =	dma.local @!p0 [hbm:s0], s1  }
0x59: {  	s0 =	simm.s32 @!p0 $0x1  }
0x5a: {  	_ =	swait.ge @!p0 [sflag:s0], s1  }
0x5b: {  	s1 =	ssub.s32 @!p0 $0x0, s1;
	[sflag:s0] =	ssyncset.done @!p0 $0x0  }
0x5c: {  	[sflag:s0] =	ssyncadd.s32 @!p0 s1  }
0x5d: {  	[bflag:$0x3] =	sbarrier.arrive $0xFFFF  }
0x5e: {  	_ =	shalt  }

// kernel: sparse-core-data-format-call.cloned.1.call-start
scs
called_computation_lowered:
.L_overlay_start_0:
0x0: {  	s2 =	sld [smem:$0x3FD9]  }
0x1: {  	s3 =	sld [smem:$0x3FFE];
	_ =	sdelay $0x1  }
0x2: {  	s1 =	srdreg.scid  }
0x3: {  	s0 =	sand.u32 $0x1, s1  }
0x4: {  	s18 =	sshll.u32 s0, $0xA;
	s2 =	sadd.s32 s3, s2  }
0x5: {  	s2 =	sadd.s32 s2, s18  }
0x6: {  	[smem:$0x3FC6] =	sst s2  }
0x7: {  	_ = 	snop  }
0x8: {  	s2 =	sld [smem:$0x3FD0];
	(tm) =	ssettm $0x1  }
0x9: {  	s19 =	sld [smem:$0x3FFB];
	_ =	sdelay $0x3  }
0xa: {  	_ =	strace s19  }
0xb: {  	s3 =	sld [smem:$0x3FFC];
	_ =	sdelay $0x3  }
0xc: {  	_ =	strace s3  }
0xd: {  	s3 =	sld [smem:$0x3FFD];
	_ =	sdelay $0x3  }
0xe: {  	_ =	strace s3  }
0xf: {  	_ =	strace $0x8FFFFFFF  }
0x10: {  	s20 =	sld [smem:$0x3FDB];
	_ =	sdelay $0x1  }
0x11: {  	s4 =	simm.s32 $_scs_section_size  }
0x12: {  	s5 =	simm.s32 $_size__tile_overlayer_lowered;
	s6 =	simm.s32 $_tile_overlayer_lowered  }
0x13: {  	s23 =	simm.s32 $0x1BFF;
	s22 =	sshll.u32 s6, $0x1;
	s3 =	sadd.s32 s4, s20  }
0x14: {  	s7 =	simm.s32 $0x0;
	s21 =	sshll.u32 s5, $0x1;
	s5 =	sadd.s32 s22, s3  }
0x15: {  	[timem:s7], [sflag:s23] =	dma.local [hbm:s5], s21  }
0x16: {  	_ =	swait.ge [sflag:s23], s21  }
0x17: {  	s4 =	ssub.s32 $0x0, s21;
	[sflag:s23] =	ssyncset.done $0x0  }
0x18: {  	[sflag:s23] =	ssyncadd.s32 s4;
	_ =	sdelay $0x1  }
0x19: {  	s24 =	simm.s32 $0x1B8B  }
0x1a: {  	_ =	swait.ge [sflag:s24], $0x1  }
0x1b: {  	[sflag:s24] =	ssyncset.done $0x0  }
0x1c: {  	s26 =	simm.s32 $0x1B8E;
	s25 =	sld [smem:$0x3FFE];
	[sflag:s24] =	ssyncadd.s32 $0xFFFFFFFF  }
0x1d: {  	s27 =	simm.s32 $execute0_lowered;
	[smem:$0x3FD2] =	sst s26  }
0x1e: {  	s5 =	sshll.u32 s27, $0x1;
	_ =	strace $0x8000004F;
	[dreg:$0x1] =	wrdreg $0xFFFFFFFF  }
0x1f: {  	s28 =	simm.s32 $_size_execute0_lowered;
	s3 =	sadd.s32 s3, s5;
	[dreg:$0x0] =	wrdreg $0x0  }
0x20: {  	s5 =	sshll.u32 s28, $0x1;
	[dreg:$0x2] =	wrdreg s3  }
0x21: {  	[dreg:$0x3] =	wrdreg s5  }
0x22: {  	[dreg:$0x4] =	wrdreg $0xC0  }
0x23: {  	_ =	task [dreg:s7], $0x5FFFF  }
0x24: {  	[dreg:$0x1] =	wrdreg $0xFFFFFFFF  }
0x25: {  	[dreg:$0x0] =	wrdreg $0x60  }
0x26: {  	[dreg:$0x2] =	wrdreg s25  }
0x27: {  	[dreg:$0x3] =	wrdreg s2  }
0x28: {  	[dreg:$0x4] =	wrdreg $0x9  }
0x29: {  	_ =	task.clear_ibuf [dreg:s7], $0x5FFFF;
	_ =	strace $0x9000004F  }
0x2a: {  	s29 =	simm.s32 $0x9;
	_ =	strace $0x80000051  }
0x2b: {  	_ =	swait.ge [sflag:s29], $0x1  }
0x2c: {  	[sflag:s29] =	ssyncadd.s32 $0xFFFFFFFF  }
0x2d: {  	_ =	strace $0x90000051  }
0x2e: {  	_ =	sfence  }
0x2f: {  	s30 =	sld [smem:$0x0];
	_ =	sdelay $0x2  }
0x30: {  	s31 =	sshll.u32 s1, $0xD;
	s1 =	sshrl.u32 s1, $0x2  }
0x31: {  	s3 =	sand.u32 $0x4000, s31;
	s1 =	sadd.s32 s1, s30  }
0x32: {  	s0 =	sor.u32 s3, s0;
	s1 =	sshll.u32 s1, $0x11  }
0x33: {  	s0 =	sor.u32 s1, s0  }
0x34: {  	s0 =	sadd.s32 $0x8F2B, s0  }
0x35: {  	[sflag:s0] =	ssyncadd.remote.s32 $0x1  }
0x36: {  	_ =	sfence.sel $0xFFFF  }
0x37: {  	[dreg:$0x0] =	wrdreg $0xFFFFFFFF;
	(pc) =	sbr.abs _section_cstart, $3  }
0x38: {  	[dreg:$0x1] =	wrdreg $0xFFFFFFFF  }
0x39: {  	_ =	task.clear_ibuf [dreg:s7], $0x2FFFF;
	_ =	strace $0x9FFFFFFF  }
0x3a: {  	(tm) =	ssettm $0x7FFFFFFF  }
0x3b: {  	_ =	shalt  }
tec
execute0_lowered:
.L_overlay_start_1:
0x0: {  	(tag) =	ssettag $0x1  }
0x1: {  	s5 =	rddreg [dreg:$0x0]  }
0x2: {  	s0 =	srdreg.scid;
	s3 =	rddreg [dreg:$0x1];
	s7 =	simm.s32 $0x1  }
0x3: {  	s8 =	simm.s32 $0x2;
	s14 =	simm.s32 $0x0;
	s1 =	sshll.u32 s0, $0x4  }
0x4: {  	s9 =	simm.s32 $0x0;
	s0 =	stileid.u32;
	s1 =	sand.u32 $0x10, s1  }
0x5: {  	s15 =	simm.s32 $0x0;
	s16 =	simm.s32 $0x0;
	s1 =	sor.u32 s0, s1  }
0x6: {  	s10 =	simm.s32 $0x0;
	s11 =	simm.s32 $0x0;
	s2 =	sshll.u32 s1, $0x3  }
0x7: {  	s13 =	simm.s32 $0x0;
	s5 =	sadd.s32 $0x101000, s5;
	s6 =	ssub.s32 $0x2000, s2  }
.Ltmp0:
0x8: {  	s1 =	rddreg [dreg:$0x2];
	s4 =	sand.u32 $0xF8, s6;
	(pc) =	sbr.rel .LBB1_1-.Ltmp0, $4  }
0x9: {  	_ =	strace $0x80000050;
	p0 =	sne.s32 s4, $0x0;
	s4 =	simm.s32 $0x1  }
0xa: {  	s6 =	sshrl.u32 s6, $0x8;
	s7 =	simm.s32 @!p0 $0x0;
	[sflag:s4] =	ssyncpa.u1 $0x0  }
0xb: {  	s12 =	smov.u32 s2;
	s7 =	sadd.s32 s7, s6;
	[sflag:s8] =	ssyncpa.u1 $0x0  }
0xc: {  	s8 =	simm.s32 $0x800000;
	s6 =	sshll.u32 s7, $0x1;
	s7 =	sshllo.u32 s7, $0x1  }
.LBB1_7:
0xd: {  	s17 =	sadd.s32 $0x200, s10  }
0xe: {  	s14 =	sadd.s32 $0x4, s11;
	s18 =	smov.u32 s11;
	p1 =	sgt.s32 s17, $0x3FF  }
0xf: {  	s18 =	smov.u32 @p1 s14  }
0x10: {  	s20 =	smov.u32 s12;
	s14 =	sadd.s32 $0x100, s12;
	p2 =	sgt.s32 s18, $0x3  }
0x11: {  	s20 =	smov.u32 @p2 s14  }
0x12: {  	s17 =	simm.s32 @p1 $0x0;
	p1 =	sgt.s32 s20, $0x1FFF  }
0x13: {  	p0 =	slt.u32 s13, $0x2;
	s20 =	smov.u32 @p1 s2;
	p1 =	sne.s32 s13, s7  }
.Ltmp1:
0x14: {  	s19 =	simm.s32 @!p0 $0x2;
	(pc) =	sbr.rel @!p1 .LBB1_8-.Ltmp1, $4  }
0x15: {  	s15 =	smov.u32 s11;
	s16 =	smov.u32 s12;
	_ =	swait.ge @!p0 [sflag:s19], $0x4000  }
0x16: {  	s9 =	sadd.s32 $0x4000, s9;
	[sflag:s19] =	ssyncset.done @!p0 $0x0;
	s18 =	simm.s32 @p2 $0x0  }
0x17: {  	s14 =	smov.u32 s10;
	[sflag:s19] =	ssyncadd.s32 @!p0 $0xFFFFC000;
	s10 =	smov.u32 s17  }
0x18: {  	s11 =	smov.u32 s18;
	s13 =	sadd.s32 $0x1, s13;
	s12 =	smov.u32 s20  }
.LBB1_1:
0x19: {  	p0 =	sge.u32 s13, s6  }
0x1a: {  	s17 =	sshll.u32 @!p0 s11, $0x7  }
0x1b: {  	s18 =	sand.u32 @!p0 $0x78, s10;
	s19 =	sshll.u32 @!p0 s10, $0x2;
	s17 =	sand.u32 @!p0 $0x180, s17  }
0x1c: {  	s31 =	sadd.s32 $0xFFFFFFFF, s13;
	s19 =	sand.u32 @!p0 $0x200, s19;
	s17 =	sor.u32 @!p0 s17, s18  }
0x1d: {  	s18 =	sshll.u32 @!p0 s12, $0x9;
	s17 =	sor.u32 @!p0 s19, s17;
	s19 =	sshrl.u32 @!p0 s10, $0x1  }
0x1e: {  	s20 =	sxor.u32 @!p0 $0xFFFFFFFF, s13;
	s18 =	sadd.s32 @!p0 s5, s18;
	s19 =	sand.u32 @!p0 $0x180, s19  }
0x1f: {  	s20 =	sshll.u32 @!p0 s20, $0xE;
	s18 =	sadd.s32 @!p0 s19, s18;
	s19 =	sand.u32 @!p0 $0x7, s10  }
0x20: {  	s20 =	sand.u32 @!p0 $0x4000, s20;
	s17 =	sshrl.u32 @!p0 s17, $0x3;
	s19 =	sshll.u32 @!p0 s19, $0x12  }
0x21: {  	s17 =	sadd.s32 @!p0 s17, s18;
	s18 =	sor.u32 @!p0 $0x800, s19;
	s19 =	simm.s32 @!p0 $0x1000  }
0x22: {  	[tilespmem:s20], [sflag:$0x1] =	stream.strided.gather @!p0 [hbm4b:s17+s18], $0x4000, s19, s18, $0x38;
	[tilespmem:$0x10000] =	vst v63  }
0x23: {  	p0 =	sge.u32 s31, s6  }
.Ltmp2:
0x24: {  	_ = 	snop;
	(pc) =	sbr.rel @p0 .LBB1_7-.Ltmp2, $1  }
0x25: {  	_ =	sdelay $0x3  }
0x26: {  	s17 =	sshll.u32 s9, $0x2;
	_ =	swait.ge [sflag:s4], $0x4000;
	s31 =	sshll.u32 s13, $0xE  }
0x27: {  	s21 =	simm.s32 $0x0;
	s22 =	simm.s32 $0x0;
	s17 =	sand.u32 $0x10000, s17  }
0x28: {  	s23 =	simm.s32 $0x0;
	[sflag:s4] =	ssyncset.done $0x0;
	s20 =	sshrl.u32 s17, $0x2  }
0x29: {  	s17 =	sand.u32 $0x4000, s31;
	[sflag:s4] =	ssyncadd.s32 $0xFFFFC000;
	s18 =	sor.u32 $0x400, s20  }
0x2a: {  	s19 =	sor.u32 $0x8000, s20;
	s17 =	sor.u32 $0x8000, s17;
	s20 =	sadd.s32 $0x8C00, s20  }
.LBB1_3:
0x2b: {  	v0 =	vmov s19;
	v1 =	vld [tilespmem:s18+$0x270]  }
0x2c: {  	v2 =	vld [tilespmem:s18+$0xFFFFFC10]  }
0x2d: {  	v3 =	vld [tilespmem:s18+$0xFFFFFC20]  }
0x2e: {  	s24 =	sshll.u32 s22, $0x2;
	s25 =	sand.u32 $0x3, s21;
	v4 =	vld [tilespmem:s18+$0xFFFFFC30]  }
0x2f: {  	v5 =	vld [tilespmem:s18+$0xFFFFFC40];
	s26 =	sand.u32 $0xFFFFF800, s24;
	s25 =	sshll.u32 s25, $0x9;
	s24 =	simm.s32 $0x0  }
0x30: {  	v6 =	vld [tilespmem:s18+$0xFFFFFC50];
	s25 =	sor.u32 s25, s26;
	[tilespmem:v0+s24+$0xC70 ss:$0x1] =	vst.idx.msk $0xffff, v1  }
0x31: {  	v7 =	vld [tilespmem:s18+$0x220];
	s25 =	sshrl.u32 s25, $0x2;
	[tilespmem:v0+s24+$0x10 ss:$0x1] =	vst.idx.msk $0xffff, v2  }
0x32: {  	v8 =	vld [tilespmem:s18+$0x230];
	s25 =	sadd.s32 s25, s20;
	[tilespmem:v0+s24+$0x20 ss:$0x1] =	vst.idx.msk $0xffff, v3  }
0x33: {  	v1 =	vmov s25;
	[tilespmem:v0+s24+$0x30 ss:$0x1] =	vst.idx.msk $0xffff, v4;
	v4 =	vld [tilespmem:s18+$0xFFFFFE00]  }
0x34: {  	[tilespmem:v0+s24+$0x40 ss:$0x1] =	vst.idx.msk $0xffff, v5;
	v5 =	vld [tilespmem:s18+$0xFFFFFE10]  }
0x35: {  	[tilespmem:v0+s24+$0x50 ss:$0x1] =	vst.idx.msk $0xffff, v6;
	v6 =	vld [tilespmem:s18+$0xFFFFFE20]  }
0x36: {  	v2 =	vld [tilespmem:s18+$0xFFFFFC60];
	[tilespmem:v0+s24+$0xC20 ss:$0x1] =	vst.idx.msk $0xffff, v7  }
0x37: {  	v3 =	vld [tilespmem:s18+$0xFFFFFC70];
	[tilespmem:v0+s24+$0xC30 ss:$0x1] =	vst.idx.msk $0xffff, v8  }
0x38: {  	[tilespmem:v1+s24+$0xFFFFF800 ss:$0x1] =	vst.idx.msk $0xffff, v4;
	v4 =	vld [tilespmem:s18+$0xFFFFFE50]  }
0x39: {  	[tilespmem:v0+s24+$0x410 ss:$0x1] =	vst.idx.msk $0xffff, v5;
	v5 =	vld [tilespmem:s18+$0xFFFFFE60]  }
0x3a: {  	[tilespmem:v0+s24+$0x420 ss:$0x1] =	vst.idx.msk $0xffff, v6;
	v6 =	vld [tilespmem:s18+$0xFFFFFE70]  }
0x3b: {  	[tilespmem:v0+s24+$0x60 ss:$0x1] =	vst.idx.msk $0xffff, v2;
	v2 =	vld [tilespmem:s18+$0xFFFFFE30]  }
0x3c: {  	[tilespmem:v0+s24+$0x70 ss:$0x1] =	vst.idx.msk $0xffff, v3;
	v3 =	vld [tilespmem:s18+$0xFFFFFE40]  }
0x3d: {  	[tilespmem:v0+s24+$0x450 ss:$0x1] =	vst.idx.msk $0xffff, v4;
	v4 =	vld [tilespmem:s18+$0x20]  }
0x3e: {  	[tilespmem:v0+s24+$0x460 ss:$0x1] =	vst.idx.msk $0xffff, v5;
	v5 =	vld [tilespmem:s18+$0x30]  }
0x3f: {  	[tilespmem:v0+s24+$0x470 ss:$0x1] =	vst.idx.msk $0xffff, v6;
	v6 =	vld [tilespmem:s18+$0x40]  }
0x40: {  	[tilespmem:v0+s24+$0x430 ss:$0x1] =	vst.idx.msk $0xffff, v2;
	v2 =	vld [tilespmem:s18+$0x0]  }
0x41: {  	[tilespmem:v0+s24+$0x440 ss:$0x1] =	vst.idx.msk $0xffff, v3;
	v3 =	vld [tilespmem:s18+$0x10]  }
0x42: {  	[tilespmem:v0+s24+$0x820 ss:$0x1] =	vst.idx.msk $0xffff, v4;
	v4 =	vld [tilespmem:s18+$0x70]  }
0x43: {  	[tilespmem:v0+s24+$0x830 ss:$0x1] =	vst.idx.msk $0xffff, v5;
	v5 =	vld [tilespmem:s18+$0x200]  }
0x44: {  	[tilespmem:v0+s24+$0x840 ss:$0x1] =	vst.idx.msk $0xffff, v6;
	v6 =	vld [tilespmem:s18+$0x210]  }
0x45: {  	[tilespmem:v1+s24+$0xFFFFFC00 ss:$0x1] =	vst.idx.msk $0xffff, v2;
	v2 =	vld [tilespmem:s18+$0x50]  }
0x46: {  	[tilespmem:v0+s24+$0x810 ss:$0x1] =	vst.idx.msk $0xffff, v3;
	v3 =	vld [tilespmem:s18+$0x60]  }
0x47: {  	[tilespmem:v0+s24+$0x870 ss:$0x1] =	vst.idx.msk $0xffff, v4;
	v4 =	vld [tilespmem:s18+$0x240]  }
0x48: {  	[tilespmem:v1+s24+$0x0 ss:$0x1] =	vst.idx.msk $0xffff, v5;
	v5 =	vld [tilespmem:s18+$0x250]  }
0x49: {  	[tilespmem:v0+s24+$0xC10 ss:$0x1] =	vst.idx.msk $0xffff, v6;
	v6 =	vld [tilespmem:s18+$0x260]  }
0x4a: {  	s25 =	sadd.s32 $0x80, s18;
	[tilespmem:v0+s24+$0x850 ss:$0x1] =	vst.idx.msk $0xffff, v2;
	v2 =	vld [tilespmem:s18+$0xFFFFFC00]  }
0x4b: {  	s27 =	simm.s32 $0x8000;
	s26 =	simm.s32 $0x4000;
	[tilespmem:v0+s24+$0x860 ss:$0x1] =	vst.idx.msk $0xffff, v3;
	v3 =	vld [tilespmem:s25+$0x270]  }
.LBB1_4:
0x4c: {  	p0 =	sne.s32 s27, $0xC000;
	v7 =	vld [tilespmem:s25+$0xFFFFFC10];
	[tilespmem:v0+s24+$0xC40 ss:$0x1] =	vst.idx.msk $0xffff, v4  }
0x4d: {  	v4 =	vld [tilespmem:s25+$0xFFFFFC20];
	[tilespmem:v0+s24+$0xC50 ss:$0x1] =	vst.idx.msk $0xffff, v5  }
0x4e: {  	v5 =	vld [tilespmem:s25+$0xFFFFFC30];
	[tilespmem:v0+s24+$0xC60 ss:$0x1] =	vst.idx.msk $0xffff, v6  }
0x4f: {  	v6 =	vld [tilespmem:s25+$0xFFFFFC40];
	[tilespmem:v0+s24+$0x0 ss:$0x1] =	vst.idx.msk $0xffff, v2;
	s24 =	sshra.s32 s26, $0x2;
	s26 =	smov.u32 s27  }
0x50: {  	v2 =	vld [tilespmem:s25+$0xFFFFFC50];
	[tilespmem:v0+s24+$0xC70 ss:$0x1] =	vst.idx.msk $0xffff, v3  }
0x51: {  	[tilespmem:v0+s24+$0x10 ss:$0x1] =	vst.idx.msk $0xffff, v7;
	v3 =	vld [tilespmem:s25+$0xFFFFFC60]  }
0x52: {  	[tilespmem:v0+s24+$0x20 ss:$0x1] =	vst.idx.msk $0xffff, v4;
	v4 =	vld [tilespmem:s25+$0xFFFFFC70]  }
0x53: {  	[tilespmem:v0+s24+$0x30 ss:$0x1] =	vst.idx.msk $0xffff, v5;
	v5 =	vld [tilespmem:s25+$0xFFFFFE00]  }
0x54: {  	[tilespmem:v0+s24+$0x40 ss:$0x1] =	vst.idx.msk $0xffff, v6;
	v6 =	vld [tilespmem:s25+$0xFFFFFE10]  }
0x55: {  	[tilespmem:v0+s24+$0x50 ss:$0x1] =	vst.idx.msk $0xffff, v2;
	v2 =	vld [tilespmem:s25+$0xFFFFFE20]  }
0x56: {  	[tilespmem:v0+s24+$0x60 ss:$0x1] =	vst.idx.msk $0xffff, v3;
	v3 =	vld [tilespmem:s25+$0xFFFFFE30]  }
0x57: {  	[tilespmem:v0+s24+$0x70 ss:$0x1] =	vst.idx.msk $0xffff, v4;
	v4 =	vld [tilespmem:s25+$0xFFFFFE40]  }
0x58: {  	[tilespmem:v1+s24+$0xFFFFF800 ss:$0x1] =	vst.idx.msk $0xffff, v5;
	v5 =	vld [tilespmem:s25+$0xFFFFFE50]  }
0x59: {  	[tilespmem:v0+s24+$0x410 ss:$0x1] =	vst.idx.msk $0xffff, v6;
	v6 =	vld [tilespmem:s25+$0xFFFFFE60]  }
0x5a: {  	[tilespmem:v0+s24+$0x420 ss:$0x1] =	vst.idx.msk $0xffff, v2;
	v2 =	vld [tilespmem:s25+$0xFFFFFE70]  }
0x5b: {  	[tilespmem:v0+s24+$0x430 ss:$0x1] =	vst.idx.msk $0xffff, v3;
	v3 =	vld [tilespmem:s25+$0x0]  }
0x5c: {  	[tilespmem:v0+s24+$0x440 ss:$0x1] =	vst.idx.msk $0xffff, v4;
	v4 =	vld [tilespmem:s25+$0x10]  }
0x5d: {  	[tilespmem:v0+s24+$0x450 ss:$0x1] =	vst.idx.msk $0xffff, v5;
	v5 =	vld [tilespmem:s25+$0x20]  }
0x5e: {  	[tilespmem:v0+s24+$0x460 ss:$0x1] =	vst.idx.msk $0xffff, v6;
	v6 =	vld [tilespmem:s25+$0x30]  }
0x5f: {  	[tilespmem:v0+s24+$0x470 ss:$0x1] =	vst.idx.msk $0xffff, v2;
	v2 =	vld [tilespmem:s25+$0x40]  }
0x60: {  	[tilespmem:v1+s24+$0xFFFFFC00 ss:$0x1] =	vst.idx.msk $0xffff, v3;
	v3 =	vld [tilespmem:s25+$0x50]  }
0x61: {  	[tilespmem:v0+s24+$0x810 ss:$0x1] =	vst.idx.msk $0xffff, v4;
	v4 =	vld [tilespmem:s25+$0x60]  }
0x62: {  	[tilespmem:v0+s24+$0x820 ss:$0x1] =	vst.idx.msk $0xffff, v5;
	v5 =	vld [tilespmem:s25+$0x70]  }
0x63: {  	[tilespmem:v0+s24+$0x830 ss:$0x1] =	vst.idx.msk $0xffff, v6;
	v6 =	vld [tilespmem:s25+$0x200]  }
0x64: {  	[tilespmem:v0+s24+$0x840 ss:$0x1] =	vst.idx.msk $0xffff, v2;
	v2 =	vld [tilespmem:s25+$0x210]  }
0x65: {  	[tilespmem:v0+s24+$0x850 ss:$0x1] =	vst.idx.msk $0xffff, v3;
	v3 =	vld [tilespmem:s25+$0x220]  }
0x66: {  	[tilespmem:v0+s24+$0x860 ss:$0x1] =	vst.idx.msk $0xffff, v4;
	v7 =	vld [tilespmem:s25+$0x230]  }
.Ltmp3:
0x67: {  	[tilespmem:v0+s24+$0x870 ss:$0x1] =	vst.idx.msk $0xffff, v5;
	v4 =	vld [tilespmem:s25+$0x240];
	(pc) =	sbr.rel @p0 .LBB1_4-.Ltmp3, $4  }
0x68: {  	[tilespmem:v1+s24+$0x0 ss:$0x1] =	vst.idx.msk $0xffff, v6;
	v5 =	vld [tilespmem:s25+$0x250]  }
0x69: {  	[tilespmem:v0+s24+$0xC10 ss:$0x1] =	vst.idx.msk $0xffff, v2;
	v6 =	vld [tilespmem:s25+$0x260]  }
0x6a: {  	v2 =	vld [tilespmem:s25+$0xFFFFFC00];
	[tilespmem:v0+s24+$0xC20 ss:$0x1] =	vst.idx.msk $0xffff, v3;
	s25 =	sadd.s32 $0x80, s25  }
0x6b: {  	s27 =	sadd.s32 $0x4000, s27;
	v3 =	vld [tilespmem:s25+$0x270];
	[tilespmem:v0+s24+$0xC30 ss:$0x1] =	vst.idx.msk $0xffff, v7  }
0x6c: {  	_ =	sdelay $0x3  }
0x6d: {  	v7 =	vld [tilespmem:s25+$0xFFFFFC10];
	[tilespmem:v0+s24+$0xC40 ss:$0x1] =	vst.idx.msk $0xffff, v4  }
0x6e: {  	v34 =	vld [tilespmem:s25+$0xFFFFFC20];
	[tilespmem:v0+s24+$0xC50 ss:$0x1] =	vst.idx.msk $0xffff, v5  }
0x6f: {  	v35 =	vld [tilespmem:s25+$0xFFFFFC30];
	[tilespmem:v0+s24+$0xC60 ss:$0x1] =	vst.idx.msk $0xffff, v6  }
0x70: {  	s26 =	sshra.s32 s26, $0x2;
	v36 =	vld [tilespmem:s25+$0xFFFFFC40];
	[tilespmem:v0+s24+$0x0 ss:$0x1] =	vst.idx.msk $0xffff, v2  }
0x71: {  	v37 =	vld [tilespmem:s25+$0xFFFFFC50];
	[tilespmem:v0+s26+$0xC70 ss:$0x1] =	vst.idx.msk $0xffff, v3  }
0x72: {  	v38 =	vld [tilespmem:s25+$0xFFFFFC60];
	[tilespmem:v0+s26+$0x10 ss:$0x1] =	vst.idx.msk $0xffff, v7  }
0x73: {  	v39 =	vld [tilespmem:s25+$0xFFFFFC70];
	[tilespmem:v0+s26+$0x20 ss:$0x1] =	vst.idx.msk $0xffff, v34  }
0x74: {  	v40 =	vld [tilespmem:s25+$0xFFFFFE00];
	[tilespmem:v0+s26+$0x30 ss:$0x1] =	vst.idx.msk $0xffff, v35  }
0x75: {  	v41 =	vld [tilespmem:s25+$0xFFFFFE10];
	[tilespmem:v0+s26+$0x40 ss:$0x1] =	vst.idx.msk $0xffff, v36  }
0x76: {  	v42 =	vld [tilespmem:s25+$0xFFFFFE20];
	[tilespmem:v0+s26+$0x50 ss:$0x1] =	vst.idx.msk $0xffff, v37  }
0x77: {  	v43 =	vld [tilespmem:s25+$0xFFFFFE30];
	[tilespmem:v0+s26+$0x60 ss:$0x1] =	vst.idx.msk $0xffff, v38  }
0x78: {  	v44 =	vld [tilespmem:s25+$0xFFFFFE40];
	[tilespmem:v0+s26+$0x70 ss:$0x1] =	vst.idx.msk $0xffff, v39  }
0x79: {  	v45 =	vld [tilespmem:s25+$0xFFFFFE50];
	[tilespmem:v1+s26+$0xFFFFF800 ss:$0x1] =	vst.idx.msk $0xffff, v40  }
0x7a: {  	v46 =	vld [tilespmem:s25+$0xFFFFFE60];
	[tilespmem:v0+s26+$0x410 ss:$0x1] =	vst.idx.msk $0xffff, v41  }
0x7b: {  	v47 =	vld [tilespmem:s25+$0xFFFFFE70];
	[tilespmem:v0+s26+$0x420 ss:$0x1] =	vst.idx.msk $0xffff, v42  }
0x7c: {  	v48 =	vld [tilespmem:s25+$0x0];
	[tilespmem:v0+s26+$0x430 ss:$0x1] =	vst.idx.msk $0xffff, v43  }
0x7d: {  	v49 =	vld [tilespmem:s25+$0x10];
	[tilespmem:v0+s26+$0x440 ss:$0x1] =	vst.idx.msk $0xffff, v44  }
0x7e: {  	v50 =	vld [tilespmem:s25+$0x20];
	[tilespmem:v0+s26+$0x450 ss:$0x1] =	vst.idx.msk $0xffff, v45  }
0x7f: {  	v51 =	vld [tilespmem:s25+$0x30];
	[tilespmem:v0+s26+$0x460 ss:$0x1] =	vst.idx.msk $0xffff, v46  }
0x80: {  	v52 =	vld [tilespmem:s25+$0x40];
	[tilespmem:v0+s26+$0x470 ss:$0x1] =	vst.idx.msk $0xffff, v47  }
0x81: {  	v53 =	vld [tilespmem:s25+$0x50];
	[tilespmem:v1+s26+$0xFFFFFC00 ss:$0x1] =	vst.idx.msk $0xffff, v48  }
0x82: {  	v54 =	vld [tilespmem:s25+$0x60];
	[tilespmem:v0+s26+$0x810 ss:$0x1] =	vst.idx.msk $0xffff, v49  }
0x83: {  	v55 =	vld [tilespmem:s25+$0x70];
	[tilespmem:v0+s26+$0x820 ss:$0x1] =	vst.idx.msk $0xffff, v50  }
0x84: {  	v56 =	vld [tilespmem:s25+$0x200];
	[tilespmem:v0+s26+$0x830 ss:$0x1] =	vst.idx.msk $0xffff, v51  }
0x85: {  	v57 =	vld [tilespmem:s25+$0x210];
	[tilespmem:v0+s26+$0x840 ss:$0x1] =	vst.idx.msk $0xffff, v52  }
0x86: {  	v58 =	vld [tilespmem:s25+$0x220];
	[tilespmem:v0+s26+$0x850 ss:$0x1] =	vst.idx.msk $0xffff, v53  }
0x87: {  	v59 =	vld [tilespmem:s25+$0x230];
	[tilespmem:v0+s26+$0x860 ss:$0x1] =	vst.idx.msk $0xffff, v54  }
0x88: {  	v60 =	vld [tilespmem:s25+$0x240];
	[tilespmem:v0+s26+$0x870 ss:$0x1] =	vst.idx.msk $0xffff, v55  }
0x89: {  	v61 =	vld [tilespmem:s25+$0x250];
	[tilespmem:v1+s26+$0x0 ss:$0x1] =	vst.idx.msk $0xffff, v56  }
0x8a: {  	v62 =	vld [tilespmem:s25+$0x260];
	s23 =	sadd.s32 $0x1, s23;
	[tilespmem:v0+s26+$0xC10 ss:$0x1] =	vst.idx.msk $0xffff, v57  }
0x8b: {  	v63 =	vld [tilespmem:s25+$0xFFFFFC00];
	p0 =	sne.s32 s23, $0x8;
	[tilespmem:v0+s26+$0xC20 ss:$0x1] =	vst.idx.msk $0xffff, v58  }
.Ltmp4:
0x8c: {  	[tilespmem:v0+s26+$0xC30 ss:$0x1] =	vst.idx.msk $0xffff, v59;
	(pc) =	sbr.rel @p0 .LBB1_3-.Ltmp4, $4  }
0x8d: {  	[tilespmem:v0+s26+$0xC40 ss:$0x1] =	vst.idx.msk $0xffff, v60  }
0x8e: {  	[tilespmem:v0+s26+$0xC50 ss:$0x1] =	vst.idx.msk $0xffff, v61  }
0x8f: {  	s18 =	sadd.s32 $0x800, s18;
	[tilespmem:v0+s26+$0xC60 ss:$0x1] =	vst.idx.msk $0xffff, v62  }
0x90: {  	s22 =	sadd.s32 $0x80, s22;
	s21 =	sadd.s32 $0x1, s21;
	s19 =	sadd.s32 $0x80, s19;
	[tilespmem:v0+s26+$0x0 ss:$0x1] =	vst.idx.msk $0xffff, v63  }
0x91: {  	s16 =	sshll.u32 s16, $0x7;
	s18 =	sand.u32 $0x78, s14  }
0x92: {  	s15 =	sshll.u32 s15, $0x14;
	s31 =	sand.u32 $0x7, s14;
	s19 =	sand.u32 $0x380, s16  }
.Ltmp5:
0x93: {  	s16 =	sand.u32 $0xFFC00, s16;
	s18 =	sor.u32 s19, s18;
	(pc) =	sbr.rel .LBB1_7-.Ltmp5, $4  }
0x94: {  	s15 =	sadd.s32 s3, s15;
	s16 =	sadd.s32 s14, s16;
	s18 =	sshrl.u32 s18, $0x3  }
0x95: {  	s14 =	sshll.u32 s31, $0x12;
	s16 =	sand.u32 $0xFFF80, s16;
	s15 =	sadd.s32 s18, s15  }
0x96: {  	s14 =	sor.u32 $0x1000, s14;
	s15 =	sadd.s32 s16, s15  }
0x97: {  	[hbm4b:s15+s14] =	stream.strided.scatter [tilespmem:s17], [sflag:$0x2], $0x4000, s8, s14, $0x38;
	[tilespmem:$0x10000] =	vst v63  }
.LBB1_8:
0x98: {  	_ =	sfence.sel $0x180000  }
0x99: {  	s2 =	simm.s32 $0x1;
	[bflag:$0x0] =	sbarrier.arrive $0xFFFF  }
0x9a: {  	s31 =	simm.s32 $0x2;
	[sflag:s2] =	ssyncpa.u1 $0x1  }
0x9b: {  	[sflag:s31] =	ssyncpa.u1 $0x1  }
0x9c: {  	p0 =	sne.s32 s0, $0x0;
	_ =	strace $0x90000050  }
0x9d: {  	s0 =	sadd.s32 @!p0 $0x100000, s1;
	[bflag:$0x2] =	sbarrier.arrive $0xFFFF  }
0x9e: {  	[sflag:s0] =	ssyncadd.tile.s32 @!p0 $0x1;
	_ =	shalt  }
.Lfunc_end1:
_tile_overlayer_lowered:
.L_overlay_start_2:
0x9f: {  	(tag) =	ssettag $0x2  }
0xa0: {  	s0 =	rddreg [dreg:$0x0];
	s2 =	stileid.u32  }
0xa1: {  	s1 =	rddreg [dreg:$0x1];
	p0 =	sne.s32 s2, $0x0  }
0xa2: {  	s3 =	rddreg [dreg:$0x2];
	[bflag:$0x3] =	sbarrier.arrive $0xFFFF;
	s2 =	simm.s32 @!p0 $0x1C01  }
0xa3: {  	[timem:s3], [sflag:s2] =	dma.local @!p0 [hbm:s0], s1  }
0xa4: {  	s0 =	simm.s32 @!p0 $0x1  }
0xa5: {  	_ =	swait.ge @!p0 [sflag:s0], s1  }
0xa6: {  	s1 =	ssub.s32 @!p0 $0x0, s1;
	[sflag:s0] =	ssyncset.done @!p0 $0x0  }
0xa7: {  	[sflag:s0] =	ssyncadd.s32 @!p0 s1  }
0xa8: {  	[bflag:$0x3] =	sbarrier.arrive $0xFFFF  }
0xa9: {  	_ =	shalt  }

</sc_bundles>
